<compile_context>
chip_gen: v7x
topology: tpu7x:2x2x1
jax: 0.10.2.dev20260603
libtpu: 0.0.44.dev20260713+nightly
codegen_flags: <defaults>
</compile_context>

<pallas_src>
import functools

import jax
import jax.numpy as jnp
from jax import lax
from jax.experimental import pallas as pl
from jax.experimental.pallas import tpu as pltpu
from jax.experimental.pallas import tpu_sc as plsc

N_NODES = 10000
N_EDGES = 320000
D = 128

NC = 2
NS = 16
NW = NC * NS
EPT = N_EDGES // NW
CHUNK = 80
NCHUNK = EPT // CHUNK
NSTREAM = 2 * NCHUNK

WIN = N_NODES // 2
TRASH_GROUPS = 8
TRASH_PER_GROUP = 8
TRASH = TRASH_GROUPS * TRASH_PER_GROUP
ACC_ROWS = WIN + TRASH
WROWS_PER_TILE = 312
WTAIL = WIN - NS * WROWS_PER_TILE

ROW_BLK = 1000
N_BLKS = N_NODES // ROW_BLK


def _mm_body(x_ref, w2t_ref, feat_ref):
    feat_ref[...] = jnp.dot(x_ref[...], w2t_ref[...],
                            preferred_element_type=jnp.float32)


def _combine_body(x_ref, w1t_ref, p_ref, out_ref):
    s = jnp.dot(x_ref[...], w1t_ref[...], preferred_element_type=jnp.float32)
    out_ref[...] = jnp.maximum(s + p_ref[0] + p_ref[1], 0.0)


_sc_mesh = plsc.VectorSubcoreMesh(core_axis_name="c", subcore_axis_name="s")


@functools.partial(
    pl.kernel,
    out_type=jax.ShapeDtypeStruct((NC, N_NODES, D), jnp.float32),
    mesh=_sc_mesh,
    scratch_types=[
        pltpu.VMEM((NCHUNK, CHUNK), jnp.int32),
        pltpu.VMEM((NSTREAM, CHUNK), jnp.int32),
        pltpu.VMEM((CHUNK, D), jnp.float32),
        pltpu.VMEM((CHUNK, D), jnp.float32),
        pltpu.VMEM((CHUNK, D), jnp.float32),
        pltpu.VMEM((CHUNK, D), jnp.float32),
        pltpu.VMEM_SHARED((ACC_ROWS, D), jnp.float32),
        pltpu.SemaphoreType.DMA,
        pltpu.SemaphoreType.DMA,
        pltpu.SemaphoreType.DMA,
        pltpu.SemaphoreType.DMA,
    ],
)
def _aggregate(feats_hbm, col_hbm, rowcat_hbm, zeros_hbm, out_hbm,
               colv, rowv, buf0, buf1, buf2, buf3, acc,
               sem0, sem1, sem2, sem3):
    cid = lax.axis_index("c")
    sid = lax.axis_index("s")
    wid = cid * NS + sid
    bufs = (buf0, buf1, buf2, buf3)
    sems = (sem0, sem1, sem2, sem3)

    pltpu.sync_copy(col_hbm.at[wid], colv)
    pltpu.sync_copy(rowcat_hbm.at[wid], rowv)

    def gather(k, b):
        kk = jnp.minimum(k, NSTREAM - 1)
        src = kk - NCHUNK * (kk // NCHUNK)
        pltpu.async_copy(feats_hbm.at[colv.at[src]], bufs[b], sems[b])

    def wait_gather(b):
        pltpu.make_async_copy(feats_hbm.at[colv.at[0]], bufs[b],
                              sems[b]).wait()

    def zero_acc():
        zbase = sid * WROWS_PER_TILE
        for m in range(3):
            pltpu.sync_copy(zeros_hbm, acc.at[pl.ds(zbase + m * CHUNK, CHUNK)])
        pltpu.sync_copy(zeros_hbm.at[pl.ds(0, 72)],
                        acc.at[pl.ds(zbase + 3 * CHUNK, 72)])
        @pl.when(sid < TRASH_GROUPS)
        def _zero_trash():
            pltpu.sync_copy(zeros_hbm.at[pl.ds(0, TRASH_PER_GROUP)],
                            acc.at[pl.ds(WIN + sid * TRASH_PER_GROUP,
                                         TRASH_PER_GROUP)])

        @pl.when(sid == 0)
        def _zero_tail():
            pltpu.sync_copy(zeros_hbm.at[pl.ds(0, WTAIL)],
                            acc.at[pl.ds(NS * WROWS_PER_TILE, WTAIL)])

    def copy_out(sweep):
        obase = sweep * WIN
        pltpu.sync_copy(
            acc.at[pl.ds(sid * WROWS_PER_TILE, WROWS_PER_TILE)],
            out_hbm.at[cid, pl.ds(obase + sid * WROWS_PER_TILE,
                                  WROWS_PER_TILE)])

        @pl.when(sid == 0)
        def _copy_tail():
            pltpu.sync_copy(
                acc.at[pl.ds(NS * WROWS_PER_TILE, WTAIL)],
                out_hbm.at[cid, pl.ds(obase + NS * WROWS_PER_TILE, WTAIL)])

    for b in range(4):
        gather(jnp.int32(b), b)
    zero_acc()
    plsc.subcore_barrier()

    def quad0(j, carry):
        for b in range(4):
            k = 4 * j + b
            wait_gather(b)
            pltpu.sync_copy(bufs[b], acc.at[rowv.at[k]], add=True)
            gather(k + 4, b)
        return carry

    lax.fori_loop(0, NCHUNK // 4, quad0, 0)
    wait_gather(0)
    pltpu.sync_copy(buf0, acc.at[rowv.at[NCHUNK - 1]], add=True)
    gather(jnp.int32(NCHUNK + 3), 0)

    plsc.subcore_barrier()
    copy_out(0)
    plsc.subcore_barrier()
    zero_acc()
    plsc.subcore_barrier()

    def quad1(j, carry):
        for b in range(4):
            s = (b + 1) % 4
            k = NCHUNK + 4 * j + b
            wait_gather(s)
            pltpu.sync_copy(bufs[s], acc.at[rowv.at[k]], add=True)
            gather(k + 4, s)
        return carry

    lax.fori_loop(0, NCHUNK // 4, quad1, 0)
    s_tail = (NSTREAM - 1) % 4
    wait_gather(s_tail)
    pltpu.sync_copy(bufs[s_tail], acc.at[rowv.at[NSTREAM - 1]], add=True)
    for b in range(4):
        if b != s_tail:
            wait_gather(b)

    plsc.subcore_barrier()
    copy_out(1)


def kernel(x, edge_index, W1, W2):
    row = edge_index[0].astype(jnp.int32)
    col = edge_index[1].astype(jnp.int32)
    e_idx = jnp.arange(N_EDGES, dtype=jnp.int32)
    grp_of_edge = (e_idx // EPT) % TRASH_GROUPS
    trash = (WIN + grp_of_edge * TRASH_PER_GROUP
             + (e_idx % TRASH_PER_GROUP))
    row_lo = jnp.where(row < WIN, row, trash)
    row_hi = jnp.where(row >= WIN, row - WIN, trash)
    col3 = col.reshape(NW, NCHUNK, CHUNK)
    rowcat = jnp.concatenate(
        [row_lo.reshape(NW, NCHUNK, CHUNK),
         row_hi.reshape(NW, NCHUNK, CHUNK)], axis=1)

    feats = pl.pallas_call(
        _mm_body,
        grid=(N_BLKS,),
        in_specs=[pl.BlockSpec((ROW_BLK, D), lambda i: (i, 0)),
                  pl.BlockSpec((D, D), lambda i: (0, 0))],
        out_specs=pl.BlockSpec((ROW_BLK, D), lambda i: (i, 0)),
        out_shape=jax.ShapeDtypeStruct((N_NODES, D), jnp.float32),
    )(x, W2.T)

    zeros = jnp.zeros((CHUNK, D), jnp.float32)
    partials = _aggregate(feats, col3, rowcat, zeros)

    out = pl.pallas_call(
        _combine_body,
        grid=(N_BLKS,),
        in_specs=[pl.BlockSpec((ROW_BLK, D), lambda i: (i, 0)),
                  pl.BlockSpec((D, D), lambda i: (0, 0)),
                  pl.BlockSpec((2, ROW_BLK, D), lambda i: (0, i, 0))],
        out_specs=pl.BlockSpec((ROW_BLK, D), lambda i: (i, 0)),
        out_shape=jax.ShapeDtypeStruct((N_NODES, D), jnp.float32),
    )(x, W1.T, partials)
    return out

# --- scband reference (transcript-rebuilt; emitter-appended) ---
"""Pipeline reference for scband-gnnlayer-f-37409165148998 (READ-ONLY COPY).

The authoritative reference and input builder live on the scoring server;
editing this copy changes nothing except your own understanding.
"""

import jax, jax.numpy as jnp
import numpy as np

N_NODES = 10000
N_EDGES = 320000
IN_DIM = 128
OUT_DIM = 128


def setup_inputs(seed: int = 0) -> dict:
    key = jax.random.key(seed)
    k_x, k_e, k_w1, k_w2 = jax.random.split(key, 4)
    x = jax.random.normal(k_x, (N_NODES, IN_DIM), dtype=jnp.float32)
    edge_index = jax.random.randint(k_e, (2, N_EDGES), 0, N_NODES, dtype=jnp.int64)
    # nn.Linear(in_dim, out_dim, bias=False) weight has shape [out_dim, in_dim]
    bound = 1.0 / np.sqrt(IN_DIM)
    W1 = jax.random.uniform(k_w1, (OUT_DIM, IN_DIM), dtype=jnp.float32, minval=-bound, maxval=bound)
    W2 = jax.random.uniform(k_w2, (OUT_DIM, IN_DIM), dtype=jnp.float32, minval=-bound, maxval=bound)
    return {"x": x, "edge_index": edge_index, "W1": W1, "W2": W2}


def reference(x, edge_index, W1, W2):
    # self transform
    self_features = x @ W1.T
    row = edge_index[0]
    col = edge_index[1]
    # neighbor transform
    neighbor_features = x @ W2.T
    # sum aggregation: gather neighbor (src=col) features, scatter-add into dst (row)
    aggregated = jnp.zeros((x.shape[0], W2.shape[0]), dtype=x.dtype)
    aggregated = aggregated.at[row].add(neighbor_features[col])
    out = jax.nn.relu(self_features + aggregated)
    return out

if __name__ == "__main__":
    import jax
    _d = setup_inputs()
    print(jax.jit(kernel)(*tuple(_d.values())))

</pallas_src>

<mosaic_0001>
#map = affine_map<(d0, d1) -> (0, 0)>
#map1 = affine_map<(d0, d1) -> (0, 0, 0)>
module attributes {stable_mosaic.version = 14 : i64} {
  func.func @_aggregate(%arg0: i32, %arg1: i32, %arg2: memref<10000x128xf32, #tpu.memory_space<hbm>>, %arg3: memref<32x125x80xi32, #tpu.memory_space<hbm>>, %arg4: memref<32x250x80xi32, #tpu.memory_space<hbm>>, %arg5: memref<80x128xf32, #tpu.memory_space<hbm>>, %arg6: memref<2x10000x128xf32, #tpu.memory_space<hbm>>, %arg7: memref<125x80xi32, #tpu.memory_space<vmem>>, %arg8: memref<250x80xi32, #tpu.memory_space<vmem>>, %arg9: memref<80x128xf32, #tpu.memory_space<vmem>>, %arg10: memref<80x128xf32, #tpu.memory_space<vmem>>, %arg11: memref<80x128xf32, #tpu.memory_space<vmem>>, %arg12: memref<80x128xf32, #tpu.memory_space<vmem>>, %arg13: memref<5064x128xf32, #tpu.memory_space<vmem_shared>>, %arg14: memref<!tpu.dma_semaphore, #tpu.memory_space<semaphore_mem>>, %arg15: memref<!tpu.dma_semaphore, #tpu.memory_space<semaphore_mem>>, %arg16: memref<!tpu.dma_semaphore, #tpu.memory_space<semaphore_mem>>, %arg17: memref<!tpu.dma_semaphore, #tpu.memory_space<semaphore_mem>>) attributes {dimension_semantics = [#tpu.dimension_semantics<core_parallel>, #tpu.dimension_semantics<subcore_parallel>], iteration_bounds = array<i64: 2, 16>, scalar_prefetch = 0 : i64, scratch_operands = 11 : i64, tpu.core_type = #tpu.core_type<sc_vector_subcore>, window_params = [{transform_indices = #map}, {transform_indices = #map1}, {transform_indices = #map1}, {transform_indices = #map}, {transform_indices = #map1}]} {
    %mul3A = arith.constant 16 : i32
    %mul3A_0 = arith.muli %arg0, %mul3A : i32
    %add3A = arith.addi %mul3A_0, %arg1 : i32
    "tpu.region"() ({
      %run_scoped3A_279 = tpu.sem_alloc : memref<!tpu.dma_semaphore, #tpu.memory_space<semaphore_mem>>
      %dma_start3A_280 = arith.constant 0 : i32
      %dma_start3A_281 = arith.constant 0 : i32
      %dma_start3A_282 = tpu.memref_slice %arg3[%add3A, %dma_start3A_280, %dma_start3A_281] : memref<32x125x80xi32, #tpu.memory_space<hbm>> -> memref<1x125x80xi32, #tpu.memory_space<hbm>>
      %dma_start3A_283 = tpu.memref_squeeze %dma_start3A_282 : memref<1x125x80xi32, #tpu.memory_space<hbm>> -> memref<125x80xi32, #tpu.memory_space<hbm>>
      %dma_start3A_284 = arith.constant 0 : i32
      %dma_start3A_285 = arith.constant 0 : i32
      %dma_start3A_286 = tpu.memref_slice %arg3[%add3A, %dma_start3A_284, %dma_start3A_285] : memref<32x125x80xi32, #tpu.memory_space<hbm>> -> memref<1x125x80xi32, #tpu.memory_space<hbm>>
      %dma_start3A_287 = tpu.memref_squeeze %dma_start3A_286 : memref<1x125x80xi32, #tpu.memory_space<hbm>> -> memref<125x80xi32, #tpu.memory_space<hbm>>
      tpu.enqueue_dma source(%dma_start3A_287 : memref<125x80xi32, #tpu.memory_space<hbm>>) target(%arg7 : memref<125x80xi32, #tpu.memory_space<vmem>>) target_semaphore(%run_scoped3A_279 : memref<!tpu.dma_semaphore, #tpu.memory_space<semaphore_mem>>)
      %dma_wait3A_288 = arith.constant 0 : i32
      %dma_wait3A_289 = arith.constant 0 : i32
      %dma_wait3A_290 = tpu.memref_slice %arg3[%add3A, %dma_wait3A_288, %dma_wait3A_289] : memref<32x125x80xi32, #tpu.memory_space<hbm>> -> memref<1x125x80xi32, #tpu.memory_space<hbm>>
      %dma_wait3A_291 = tpu.memref_squeeze %dma_wait3A_290 : memref<1x125x80xi32, #tpu.memory_space<hbm>> -> memref<125x80xi32, #tpu.memory_space<hbm>>
      %dma_wait3A_292 = arith.constant 0 : i32
      %dma_wait3A_293 = arith.constant 0 : i32
      %dma_wait3A_294 = tpu.memref_slice %arg3[%add3A, %dma_wait3A_292, %dma_wait3A_293] : memref<32x125x80xi32, #tpu.memory_space<hbm>> -> memref<1x125x80xi32, #tpu.memory_space<hbm>>
      %dma_wait3A_295 = tpu.memref_squeeze %dma_wait3A_294 : memref<1x125x80xi32, #tpu.memory_space<hbm>> -> memref<125x80xi32, #tpu.memory_space<hbm>>
      tpu.wait_dma2 semaphore(%run_scoped3A_279 : memref<!tpu.dma_semaphore, #tpu.memory_space<semaphore_mem>>) src(%dma_wait3A_295 : memref<125x80xi32, #tpu.memory_space<hbm>>) dst(%arg7 : memref<125x80xi32, #tpu.memory_space<vmem>>)
      tpu.yield
    }) : () -> ()
    "tpu.region"() ({
      %run_scoped3A_279 = tpu.sem_alloc : memref<!tpu.dma_semaphore, #tpu.memory_space<semaphore_mem>>
      %dma_start3A_280 = arith.constant 0 : i32
      %dma_start3A_281 = arith.constant 0 : i32
      %dma_start3A_282 = tpu.memref_slice %arg4[%add3A, %dma_start3A_280, %dma_start3A_281] : memref<32x250x80xi32, #tpu.memory_space<hbm>> -> memref<1x250x80xi32, #tpu.memory_space<hbm>>
      %dma_start3A_283 = tpu.memref_squeeze %dma_start3A_282 : memref<1x250x80xi32, #tpu.memory_space<hbm>> -> memref<250x80xi32, #tpu.memory_space<hbm>>
      %dma_start3A_284 = arith.constant 0 : i32
      %dma_start3A_285 = arith.constant 0 : i32
      %dma_start3A_286 = tpu.memref_slice %arg4[%add3A, %dma_start3A_284, %dma_start3A_285] : memref<32x250x80xi32, #tpu.memory_space<hbm>> -> memref<1x250x80xi32, #tpu.memory_space<hbm>>
      %dma_start3A_287 = tpu.memref_squeeze %dma_start3A_286 : memref<1x250x80xi32, #tpu.memory_space<hbm>> -> memref<250x80xi32, #tpu.memory_space<hbm>>
      tpu.enqueue_dma source(%dma_start3A_287 : memref<250x80xi32, #tpu.memory_space<hbm>>) target(%arg8 : memref<250x80xi32, #tpu.memory_space<vmem>>) target_semaphore(%run_scoped3A_279 : memref<!tpu.dma_semaphore, #tpu.memory_space<semaphore_mem>>)
      %dma_wait3A_288 = arith.constant 0 : i32
      %dma_wait3A_289 = arith.constant 0 : i32
      %dma_wait3A_290 = tpu.memref_slice %arg4[%add3A, %dma_wait3A_288, %dma_wait3A_289] : memref<32x250x80xi32, #tpu.memory_space<hbm>> -> memref<1x250x80xi32, #tpu.memory_space<hbm>>
      %dma_wait3A_291 = tpu.memref_squeeze %dma_wait3A_290 : memref<1x250x80xi32, #tpu.memory_space<hbm>> -> memref<250x80xi32, #tpu.memory_space<hbm>>
      %dma_wait3A_292 = arith.constant 0 : i32
      %dma_wait3A_293 = arith.constant 0 : i32
      %dma_wait3A_294 = tpu.memref_slice %arg4[%add3A, %dma_wait3A_292, %dma_wait3A_293] : memref<32x250x80xi32, #tpu.memory_space<hbm>> -> memref<1x250x80xi32, #tpu.memory_space<hbm>>
      %dma_wait3A_295 = tpu.memref_squeeze %dma_wait3A_294 : memref<1x250x80xi32, #tpu.memory_space<hbm>> -> memref<250x80xi32, #tpu.memory_space<hbm>>
      tpu.wait_dma2 semaphore(%run_scoped3A_279 : memref<!tpu.dma_semaphore, #tpu.memory_space<semaphore_mem>>) src(%dma_wait3A_295 : memref<250x80xi32, #tpu.memory_space<hbm>>) dst(%arg8 : memref<250x80xi32, #tpu.memory_space<vmem>>)
      tpu.yield
    }) : () -> ()
    %min3A = arith.constant 0 : i32
    %min3A_1 = arith.constant 249 : i32
    %min3A_2 = arith.minsi %min3A, %min3A_1 : i32
    %jit3A = arith.constant 125 : i32
    %div3A = arith.divsi %min3A_2, %jit3A : i32
    %sign3A = arith.constant 0 : i32
    %sign3A_3 = arith.cmpi sgt, %min3A_2, %sign3A : i32
    %sign3A_4 = arith.extui %sign3A_3 : i1 to i32
    %sign3A_5 = arith.constant 0 : i32
    %sign3A_6 = arith.cmpi slt, %min3A_2, %sign3A_5 : i32
    %sign3A_7 = arith.extui %sign3A_6 : i1 to i32
    %sign3A_8 = arith.subi %sign3A_4, %sign3A_7 : i32
    %sign3A_9 = arith.constant 0 : i32
    %sign3A_10 = arith.cmpi sgt, %jit3A, %sign3A_9 : i32
    %sign3A_11 = arith.extui %sign3A_10 : i1 to i32
    %sign3A_12 = arith.constant 0 : i32
    %sign3A_13 = arith.cmpi slt, %jit3A, %sign3A_12 : i32
    %sign3A_14 = arith.extui %sign3A_13 : i1 to i32
    %sign3A_15 = arith.subi %sign3A_11, %sign3A_14 : i32
    %ne3A = arith.cmpi ne, %sign3A_8, %sign3A_15 : i32
    %rem3A = arith.remsi %min3A_2, %jit3A : i32
    %ne3A_16 = arith.constant 0 : i32
    %ne3A_17 = arith.cmpi ne, %rem3A, %ne3A_16 : i32
    %and3A = arith.andi %ne3A, %ne3A_17 : i1
    %sub3A = arith.constant 1 : i32
    %sub3A_18 = arith.subi %div3A, %sub3A : i32
    %select_n3A = arith.select %and3A, %sub3A_18, %div3A : i32
    %mul3A_19 = arith.constant 125 : i32
    %mul3A_20 = arith.muli %mul3A_19, %select_n3A : i32
    %sub3A_21 = arith.subi %min3A_2, %mul3A_20 : i32
    %dma_start3A = arith.constant 0 : i32
    %dma_start3A_22 = tpu.memref_slice %arg7[%sub3A_21, %dma_start3A] : memref<125x80xi32, #tpu.memory_space<vmem>> -> memref<1x80xi32, #tpu.memory_space<vmem>>
    %dma_start3A_23 = tpu.memref_squeeze %dma_start3A_22 : memref<1x80xi32, #tpu.memory_space<vmem>> -> memref<80xi32, #tpu.memory_space<vmem>>
    %dma_start3A_24 = arith.constant 0 : i32
    %dma_start3A_25 = arith.constant 0 : i32
    %dma_start3A_26 = tpu.memref_slice %arg2[%dma_start3A_24, %dma_start3A_25] : memref<10000x128xf32, #tpu.memory_space<hbm>> -> memref<10000x128xf32, #tpu.memory_space<hbm>>
    tpu.enqueue_indirect_dma source(%dma_start3A_26 : memref<10000x128xf32, #tpu.memory_space<hbm>>) target(%arg9 : memref<80x128xf32, #tpu.memory_space<vmem>>) offsets(%dma_start3A_23 : memref<80xi32, #tpu.memory_space<vmem>>) semaphore(%arg14 : memref<!tpu.dma_semaphore, #tpu.memory_space<semaphore_mem>>)
    %min3A_27 = arith.constant 1 : i32
    %min3A_28 = arith.constant 249 : i32
    %min3A_29 = arith.minsi %min3A_27, %min3A_28 : i32
    %jit3A_30 = arith.constant 125 : i32
    %div3A_31 = arith.divsi %min3A_29, %jit3A_30 : i32
    %sign3A_32 = arith.constant 0 : i32
    %sign3A_33 = arith.cmpi sgt, %min3A_29, %sign3A_32 : i32
    %sign3A_34 = arith.extui %sign3A_33 : i1 to i32
    %sign3A_35 = arith.constant 0 : i32
    %sign3A_36 = arith.cmpi slt, %min3A_29, %sign3A_35 : i32
    %sign3A_37 = arith.extui %sign3A_36 : i1 to i32
    %sign3A_38 = arith.subi %sign3A_34, %sign3A_37 : i32
    %sign3A_39 = arith.constant 0 : i32
    %sign3A_40 = arith.cmpi sgt, %jit3A_30, %sign3A_39 : i32
    %sign3A_41 = arith.extui %sign3A_40 : i1 to i32
    %sign3A_42 = arith.constant 0 : i32
    %sign3A_43 = arith.cmpi slt, %jit3A_30, %sign3A_42 : i32
    %sign3A_44 = arith.extui %sign3A_43 : i1 to i32
    %sign3A_45 = arith.subi %sign3A_41, %sign3A_44 : i32
    %ne3A_46 = arith.cmpi ne, %sign3A_38, %sign3A_45 : i32
    %rem3A_47 = arith.remsi %min3A_29, %jit3A_30 : i32
    %ne3A_48 = arith.constant 0 : i32
    %ne3A_49 = arith.cmpi ne, %rem3A_47, %ne3A_48 : i32
    %and3A_50 = arith.andi %ne3A_46, %ne3A_49 : i1
    %sub3A_51 = arith.constant 1 : i32
    %sub3A_52 = arith.subi %div3A_31, %sub3A_51 : i32
    %select_n3A_53 = arith.select %and3A_50, %sub3A_52, %div3A_31 : i32
    %mul3A_54 = arith.constant 125 : i32
    %mul3A_55 = arith.muli %mul3A_54, %select_n3A_53 : i32
    %sub3A_56 = arith.subi %min3A_29, %mul3A_55 : i32
    %dma_start3A_57 = arith.constant 0 : i32
    %dma_start3A_58 = tpu.memref_slice %arg7[%sub3A_56, %dma_start3A_57] : memref<125x80xi32, #tpu.memory_space<vmem>> -> memref<1x80xi32, #tpu.memory_space<vmem>>
    %dma_start3A_59 = tpu.memref_squeeze %dma_start3A_58 : memref<1x80xi32, #tpu.memory_space<vmem>> -> memref<80xi32, #tpu.memory_space<vmem>>
    %dma_start3A_60 = arith.constant 0 : i32
    %dma_start3A_61 = arith.constant 0 : i32
    %dma_start3A_62 = tpu.memref_slice %arg2[%dma_start3A_60, %dma_start3A_61] : memref<10000x128xf32, #tpu.memory_space<hbm>> -> memref<10000x128xf32, #tpu.memory_space<hbm>>
    tpu.enqueue_indirect_dma source(%dma_start3A_62 : memref<10000x128xf32, #tpu.memory_space<hbm>>) target(%arg10 : memref<80x128xf32, #tpu.memory_space<vmem>>) offsets(%dma_start3A_59 : memref<80xi32, #tpu.memory_space<vmem>>) semaphore(%arg15 : memref<!tpu.dma_semaphore, #tpu.memory_space<semaphore_mem>>)
    %min3A_63 = arith.constant 2 : i32
    %min3A_64 = arith.constant 249 : i32
    %min3A_65 = arith.minsi %min3A_63, %min3A_64 : i32
    %jit3A_66 = arith.constant 125 : i32
    %div3A_67 = arith.divsi %min3A_65, %jit3A_66 : i32
    %sign3A_68 = arith.constant 0 : i32
    %sign3A_69 = arith.cmpi sgt, %min3A_65, %sign3A_68 : i32
    %sign3A_70 = arith.extui %sign3A_69 : i1 to i32
    %sign3A_71 = arith.constant 0 : i32
    %sign3A_72 = arith.cmpi slt, %min3A_65, %sign3A_71 : i32
    %sign3A_73 = arith.extui %sign3A_72 : i1 to i32
    %sign3A_74 = arith.subi %sign3A_70, %sign3A_73 : i32
    %sign3A_75 = arith.constant 0 : i32
    %sign3A_76 = arith.cmpi sgt, %jit3A_66, %sign3A_75 : i32
    %sign3A_77 = arith.extui %sign3A_76 : i1 to i32
    %sign3A_78 = arith.constant 0 : i32
    %sign3A_79 = arith.cmpi slt, %jit3A_66, %sign3A_78 : i32
    %sign3A_80 = arith.extui %sign3A_79 : i1 to i32
    %sign3A_81 = arith.subi %sign3A_77, %sign3A_80 : i32
    %ne3A_82 = arith.cmpi ne, %sign3A_74, %sign3A_81 : i32
    %rem3A_83 = arith.remsi %min3A_65, %jit3A_66 : i32
    %ne3A_84 = arith.constant 0 : i32
    %ne3A_85 = arith.cmpi ne, %rem3A_83, %ne3A_84 : i32
    %and3A_86 = arith.andi %ne3A_82, %ne3A_85 : i1
    %sub3A_87 = arith.constant 1 : i32
    %sub3A_88 = arith.subi %div3A_67, %sub3A_87 : i32
    %select_n3A_89 = arith.select %and3A_86, %sub3A_88, %div3A_67 : i32
    %mul3A_90 = arith.constant 125 : i32
    %mul3A_91 = arith.muli %mul3A_90, %select_n3A_89 : i32
    %sub3A_92 = arith.subi %min3A_65, %mul3A_91 : i32
    %dma_start3A_93 = arith.constant 0 : i32
    %dma_start3A_94 = tpu.memref_slice %arg7[%sub3A_92, %dma_start3A_93] : memref<125x80xi32, #tpu.memory_space<vmem>> -> memref<1x80xi32, #tpu.memory_space<vmem>>
    %dma_start3A_95 = tpu.memref_squeeze %dma_start3A_94 : memref<1x80xi32, #tpu.memory_space<vmem>> -> memref<80xi32, #tpu.memory_space<vmem>>
    %dma_start3A_96 = arith.constant 0 : i32
    %dma_start3A_97 = arith.constant 0 : i32
    %dma_start3A_98 = tpu.memref_slice %arg2[%dma_start3A_96, %dma_start3A_97] : memref<10000x128xf32, #tpu.memory_space<hbm>> -> memref<10000x128xf32, #tpu.memory_space<hbm>>
    tpu.enqueue_indirect_dma source(%dma_start3A_98 : memref<10000x128xf32, #tpu.memory_space<hbm>>) target(%arg11 : memref<80x128xf32, #tpu.memory_space<vmem>>) offsets(%dma_start3A_95 : memref<80xi32, #tpu.memory_space<vmem>>) semaphore(%arg16 : memref<!tpu.dma_semaphore, #tpu.memory_space<semaphore_mem>>)
    %min3A_99 = arith.constant 3 : i32
    %min3A_100 = arith.constant 249 : i32
    %min3A_101 = arith.minsi %min3A_99, %min3A_100 : i32
    %jit3A_102 = arith.constant 125 : i32
    %div3A_103 = arith.divsi %min3A_101, %jit3A_102 : i32
    %sign3A_104 = arith.constant 0 : i32
    %sign3A_105 = arith.cmpi sgt, %min3A_101, %sign3A_104 : i32
    %sign3A_106 = arith.extui %sign3A_105 : i1 to i32
    %sign3A_107 = arith.constant 0 : i32
    %sign3A_108 = arith.cmpi slt, %min3A_101, %sign3A_107 : i32
    %sign3A_109 = arith.extui %sign3A_108 : i1 to i32
    %sign3A_110 = arith.subi %sign3A_106, %sign3A_109 : i32
    %sign3A_111 = arith.constant 0 : i32
    %sign3A_112 = arith.cmpi sgt, %jit3A_102, %sign3A_111 : i32
    %sign3A_113 = arith.extui %sign3A_112 : i1 to i32
    %sign3A_114 = arith.constant 0 : i32
    %sign3A_115 = arith.cmpi slt, %jit3A_102, %sign3A_114 : i32
    %sign3A_116 = arith.extui %sign3A_115 : i1 to i32
    %sign3A_117 = arith.subi %sign3A_113, %sign3A_116 : i32
    %ne3A_118 = arith.cmpi ne, %sign3A_110, %sign3A_117 : i32
    %rem3A_119 = arith.remsi %min3A_101, %jit3A_102 : i32
    %ne3A_120 = arith.constant 0 : i32
    %ne3A_121 = arith.cmpi ne, %rem3A_119, %ne3A_120 : i32
    %and3A_122 = arith.andi %ne3A_118, %ne3A_121 : i1
    %sub3A_123 = arith.constant 1 : i32
    %sub3A_124 = arith.subi %div3A_103, %sub3A_123 : i32
    %select_n3A_125 = arith.select %and3A_122, %sub3A_124, %div3A_103 : i32
    %mul3A_126 = arith.constant 125 : i32
    %mul3A_127 = arith.muli %mul3A_126, %select_n3A_125 : i32
    %sub3A_128 = arith.subi %min3A_101, %mul3A_127 : i32
    %dma_start3A_129 = arith.constant 0 : i32
    %dma_start3A_130 = tpu.memref_slice %arg7[%sub3A_128, %dma_start3A_129] : memref<125x80xi32, #tpu.memory_space<vmem>> -> memref<1x80xi32, #tpu.memory_space<vmem>>
    %dma_start3A_131 = tpu.memref_squeeze %dma_start3A_130 : memref<1x80xi32, #tpu.memory_space<vmem>> -> memref<80xi32, #tpu.memory_space<vmem>>
    %dma_start3A_132 = arith.constant 0 : i32
    %dma_start3A_133 = arith.constant 0 : i32
    %dma_start3A_134 = tpu.memref_slice %arg2[%dma_start3A_132, %dma_start3A_133] : memref<10000x128xf32, #tpu.memory_space<hbm>> -> memref<10000x128xf32, #tpu.memory_space<hbm>>
    tpu.enqueue_indirect_dma source(%dma_start3A_134 : memref<10000x128xf32, #tpu.memory_space<hbm>>) target(%arg12 : memref<80x128xf32, #tpu.memory_space<vmem>>) offsets(%dma_start3A_131 : memref<80xi32, #tpu.memory_space<vmem>>) semaphore(%arg17 : memref<!tpu.dma_semaphore, #tpu.memory_space<semaphore_mem>>)
    %mul3A_135 = arith.constant 312 : i32
    %mul3A_136 = arith.muli %arg1, %mul3A_135 : i32
    %add3A_137 = arith.constant 0 : i32
    %add3A_138 = arith.addi %mul3A_136, %add3A_137 : i32
    "tpu.region"() ({
      %run_scoped3A_279 = tpu.sem_alloc : memref<!tpu.dma_semaphore, #tpu.memory_space<semaphore_mem>>
      %dma_start3A_280 = arith.constant 0 : i32
      %dma_start3A_281 = tpu.memref_slice %arg13[%add3A_138, %dma_start3A_280] : memref<5064x128xf32, #tpu.memory_space<vmem_shared>> -> memref<80x128xf32, #tpu.memory_space<vmem_shared>>
      tpu.enqueue_dma source(%arg5 : memref<80x128xf32, #tpu.memory_space<hbm>>) target(%dma_start3A_281 : memref<80x128xf32, #tpu.memory_space<vmem_shared>>) target_semaphore(%run_scoped3A_279 : memref<!tpu.dma_semaphore, #tpu.memory_space<semaphore_mem>>)
      %dma_wait3A_282 = arith.constant 0 : i32
      %dma_wait3A_283 = tpu.memref_slice %arg13[%add3A_138, %dma_wait3A_282] : memref<5064x128xf32, #tpu.memory_space<vmem_shared>> -> memref<80x128xf32, #tpu.memory_space<vmem_shared>>
      tpu.wait_dma2 semaphore(%run_scoped3A_279 : memref<!tpu.dma_semaphore, #tpu.memory_space<semaphore_mem>>) src(%arg5 : memref<80x128xf32, #tpu.memory_space<hbm>>) dst(%dma_wait3A_283 : memref<80x128xf32, #tpu.memory_space<vmem_shared>>)
      tpu.yield
    }) : () -> ()
    %add3A_139 = arith.constant 80 : i32
    %add3A_140 = arith.addi %mul3A_136, %add3A_139 : i32
    "tpu.region"() ({
      %run_scoped3A_279 = tpu.sem_alloc : memref<!tpu.dma_semaphore, #tpu.memory_space<semaphore_mem>>
      %dma_start3A_280 = arith.constant 0 : i32
      %dma_start3A_281 = tpu.memref_slice %arg13[%add3A_140, %dma_start3A_280] : memref<5064x128xf32, #tpu.memory_space<vmem_shared>> -> memref<80x128xf32, #tpu.memory_space<vmem_shared>>
      tpu.enqueue_dma source(%arg5 : memref<80x128xf32, #tpu.memory_space<hbm>>) target(%dma_start3A_281 : memref<80x128xf32, #tpu.memory_space<vmem_shared>>) target_semaphore(%run_scoped3A_279 : memref<!tpu.dma_semaphore, #tpu.memory_space<semaphore_mem>>)
      %dma_wait3A_282 = arith.constant 0 : i32
      %dma_wait3A_283 = tpu.memref_slice %arg13[%add3A_140, %dma_wait3A_282] : memref<5064x128xf32, #tpu.memory_space<vmem_shared>> -> memref<80x128xf32, #tpu.memory_space<vmem_shared>>
      tpu.wait_dma2 semaphore(%run_scoped3A_279 : memref<!tpu.dma_semaphore, #tpu.memory_space<semaphore_mem>>) src(%arg5 : memref<80x128xf32, #tpu.memory_space<hbm>>) dst(%dma_wait3A_283 : memref<80x128xf32, #tpu.memory_space<vmem_shared>>)
      tpu.yield
    }) : () -> ()
    %add3A_141 = arith.constant 160 : i32
    %add3A_142 = arith.addi %mul3A_136, %add3A_141 : i32
    "tpu.region"() ({
      %run_scoped3A_279 = tpu.sem_alloc : memref<!tpu.dma_semaphore, #tpu.memory_space<semaphore_mem>>
      %dma_start3A_280 = arith.constant 0 : i32
      %dma_start3A_281 = tpu.memref_slice %arg13[%add3A_142, %dma_start3A_280] : memref<5064x128xf32, #tpu.memory_space<vmem_shared>> -> memref<80x128xf32, #tpu.memory_space<vmem_shared>>
      tpu.enqueue_dma source(%arg5 : memref<80x128xf32, #tpu.memory_space<hbm>>) target(%dma_start3A_281 : memref<80x128xf32, #tpu.memory_space<vmem_shared>>) target_semaphore(%run_scoped3A_279 : memref<!tpu.dma_semaphore, #tpu.memory_space<semaphore_mem>>)
      %dma_wait3A_282 = arith.constant 0 : i32
      %dma_wait3A_283 = tpu.memref_slice %arg13[%add3A_142, %dma_wait3A_282] : memref<5064x128xf32, #tpu.memory_space<vmem_shared>> -> memref<80x128xf32, #tpu.memory_space<vmem_shared>>
      tpu.wait_dma2 semaphore(%run_scoped3A_279 : memref<!tpu.dma_semaphore, #tpu.memory_space<semaphore_mem>>) src(%arg5 : memref<80x128xf32, #tpu.memory_space<hbm>>) dst(%dma_wait3A_283 : memref<80x128xf32, #tpu.memory_space<vmem_shared>>)
      tpu.yield
    }) : () -> ()
    %add3A_143 = arith.constant 240 : i32
    %add3A_144 = arith.addi %mul3A_136, %add3A_143 : i32
    "tpu.region"() ({
      %run_scoped3A_279 = tpu.sem_alloc : memref<!tpu.dma_semaphore, #tpu.memory_space<semaphore_mem>>
      %dma_start3A_280 = arith.constant 0 : i32
      %dma_start3A_281 = tpu.memref_slice %arg13[%add3A_144, %dma_start3A_280] : memref<5064x128xf32, #tpu.memory_space<vmem_shared>> -> memref<72x128xf32, #tpu.memory_space<vmem_shared>>
      %dma_start3A_282 = arith.constant 0 : i32
      %dma_start3A_283 = arith.constant 0 : i32
      %dma_start3A_284 = tpu.memref_slice %arg5[%dma_start3A_282, %dma_start3A_283] : memref<80x128xf32, #tpu.memory_space<hbm>> -> memref<72x128xf32, #tpu.memory_space<hbm>>
      tpu.enqueue_dma source(%dma_start3A_284 : memref<72x128xf32, #tpu.memory_space<hbm>>) target(%dma_start3A_281 : memref<72x128xf32, #tpu.memory_space<vmem_shared>>) target_semaphore(%run_scoped3A_279 : memref<!tpu.dma_semaphore, #tpu.memory_space<semaphore_mem>>)
      %dma_wait3A_285 = arith.constant 0 : i32
      %dma_wait3A_286 = tpu.memref_slice %arg13[%add3A_144, %dma_wait3A_285] : memref<5064x128xf32, #tpu.memory_space<vmem_shared>> -> memref<72x128xf32, #tpu.memory_space<vmem_shared>>
      %dma_wait3A_287 = arith.constant 0 : i32
      %dma_wait3A_288 = arith.constant 0 : i32
      %dma_wait3A_289 = tpu.memref_slice %arg5[%dma_wait3A_287, %dma_wait3A_288] : memref<80x128xf32, #tpu.memory_space<hbm>> -> memref<72x128xf32, #tpu.memory_space<hbm>>
      tpu.wait_dma2 semaphore(%run_scoped3A_279 : memref<!tpu.dma_semaphore, #tpu.memory_space<semaphore_mem>>) src(%dma_wait3A_289 : memref<72x128xf32, #tpu.memory_space<hbm>>) dst(%dma_wait3A_286 : memref<72x128xf32, #tpu.memory_space<vmem_shared>>)
      tpu.yield
    }) : () -> ()
    %lt3A = arith.constant 8 : i32
    %lt3A_145 = arith.cmpi slt, %arg1, %lt3A : i32
    %convert_element_type3A = arith.extui %lt3A_145 : i1 to i32
    %cond3A = arith.constant 0 : i32
    %cond3A_146 = arith.cmpi ne, %convert_element_type3A, %cond3A : i32
    scf.if %cond3A_146 {
      %mul3A_279 = arith.constant 8 : i32
      %mul3A_280 = arith.muli %arg1, %mul3A_279 : i32
      %add3A_281 = arith.constant 5000 : i32
      %add3A_282 = arith.addi %add3A_281, %mul3A_280 : i32
      "tpu.region"() ({
        %run_scoped3A_283 = tpu.sem_alloc : memref<!tpu.dma_semaphore, #tpu.memory_space<semaphore_mem>>
        %dma_start3A_284 = arith.constant 0 : i32
        %dma_start3A_285 = tpu.memref_slice %arg13[%add3A_282, %dma_start3A_284] : memref<5064x128xf32, #tpu.memory_space<vmem_shared>> -> memref<8x128xf32, #tpu.memory_space<vmem_shared>>
        %dma_start3A_286 = arith.constant 0 : i32
        %dma_start3A_287 = arith.constant 0 : i32
        %dma_start3A_288 = tpu.memref_slice %arg5[%dma_start3A_286, %dma_start3A_287] : memref<80x128xf32, #tpu.memory_space<hbm>> -> memref<8x128xf32, #tpu.memory_space<hbm>>
        tpu.enqueue_dma source(%dma_start3A_288 : memref<8x128xf32, #tpu.memory_space<hbm>>) target(%dma_start3A_285 : memref<8x128xf32, #tpu.memory_space<vmem_shared>>) target_semaphore(%run_scoped3A_283 : memref<!tpu.dma_semaphore, #tpu.memory_space<semaphore_mem>>)
        %dma_wait3A_289 = arith.constant 0 : i32
        %dma_wait3A_290 = tpu.memref_slice %arg13[%add3A_282, %dma_wait3A_289] : memref<5064x128xf32, #tpu.memory_space<vmem_shared>> -> memref<8x128xf32, #tpu.memory_space<vmem_shared>>
        %dma_wait3A_291 = arith.constant 0 : i32
        %dma_wait3A_292 = arith.constant 0 : i32
        %dma_wait3A_293 = tpu.memref_slice %arg5[%dma_wait3A_291, %dma_wait3A_292] : memref<80x128xf32, #tpu.memory_space<hbm>> -> memref<8x128xf32, #tpu.memory_space<hbm>>
        tpu.wait_dma2 semaphore(%run_scoped3A_283 : memref<!tpu.dma_semaphore, #tpu.memory_space<semaphore_mem>>) src(%dma_wait3A_293 : memref<8x128xf32, #tpu.memory_space<hbm>>) dst(%dma_wait3A_290 : memref<8x128xf32, #tpu.memory_space<vmem_shared>>)
        tpu.yield
      }) : () -> ()
    } else {
    }
    %eq3A = arith.constant 0 : i32
    %eq3A_147 = arith.cmpi eq, %arg1, %eq3A : i32
    %convert_element_type3A_148 = arith.extui %eq3A_147 : i1 to i32
    %cond3A_149 = arith.constant 0 : i32
    %cond3A_150 = arith.cmpi ne, %convert_element_type3A_148, %cond3A_149 : i32
    scf.if %cond3A_150 {
      "tpu.region"() ({
        %run_scoped3A_279 = tpu.sem_alloc : memref<!tpu.dma_semaphore, #tpu.memory_space<semaphore_mem>>
        %dma_start3A_280 = arith.constant 4992 : i32
        %dma_start3A_281 = arith.constant 0 : i32
        %dma_start3A_282 = tpu.memref_slice %arg13[%dma_start3A_280, %dma_start3A_281] : memref<5064x128xf32, #tpu.memory_space<vmem_shared>> -> memref<8x128xf32, #tpu.memory_space<vmem_shared>>
        %dma_start3A_283 = arith.constant 0 : i32
        %dma_start3A_284 = arith.constant 0 : i32
        %dma_start3A_285 = tpu.memref_slice %arg5[%dma_start3A_283, %dma_start3A_284] : memref<80x128xf32, #tpu.memory_space<hbm>> -> memref<8x128xf32, #tpu.memory_space<hbm>>
        tpu.enqueue_dma source(%dma_start3A_285 : memref<8x128xf32, #tpu.memory_space<hbm>>) target(%dma_start3A_282 : memref<8x128xf32, #tpu.memory_space<vmem_shared>>) target_semaphore(%run_scoped3A_279 : memref<!tpu.dma_semaphore, #tpu.memory_space<semaphore_mem>>)
        %dma_wait3A_286 = arith.constant 4992 : i32
        %dma_wait3A_287 = arith.constant 0 : i32
        %dma_wait3A_288 = tpu.memref_slice %arg13[%dma_wait3A_286, %dma_wait3A_287] : memref<5064x128xf32, #tpu.memory_space<vmem_shared>> -> memref<8x128xf32, #tpu.memory_space<vmem_shared>>
        %dma_wait3A_289 = arith.constant 0 : i32
        %dma_wait3A_290 = arith.constant 0 : i32
        %dma_wait3A_291 = tpu.memref_slice %arg5[%dma_wait3A_289, %dma_wait3A_290] : memref<80x128xf32, #tpu.memory_space<hbm>> -> memref<8x128xf32, #tpu.memory_space<hbm>>
        tpu.wait_dma2 semaphore(%run_scoped3A_279 : memref<!tpu.dma_semaphore, #tpu.memory_space<semaphore_mem>>) src(%dma_wait3A_291 : memref<8x128xf32, #tpu.memory_space<hbm>>) dst(%dma_wait3A_288 : memref<8x128xf32, #tpu.memory_space<vmem_shared>>)
        tpu.yield
      }) : () -> ()
    } else {
    }
    %barrier3A = arith.constant 0 : index
    tpu.barrier barrier_id(%barrier3A)
    %scan3A = arith.constant 0 : i32
    %scan3A_151 = arith.constant 0 : i32
    %scan3A_152 = arith.constant 31 : i32
    %scan3A_153 = arith.addi %scan3A_151, %scan3A_152 : i32
    %scan3A_154 = arith.constant 1 : i32
    scf.for %scan3A_279 = %scan3A_151 to %scan3A_153 step %scan3A_154  : i32 {
      %mul3A_280 = arith.constant 4 : i32
      %mul3A_281 = arith.muli %mul3A_280, %scan3A_279 : i32
      %add3A_282 = arith.constant 0 : i32
      %add3A_283 = arith.addi %mul3A_281, %add3A_282 : i32
      %dma_wait3A_284 = arith.constant 0 : i32
      %dma_wait3A_285 = arith.constant 0 : i32
      %dma_wait3A_286 = tpu.memref_slice %arg7[%dma_wait3A_284, %dma_wait3A_285] : memref<125x80xi32, #tpu.memory_space<vmem>> -> memref<1x80xi32, #tpu.memory_space<vmem>>
      %dma_wait3A_287 = tpu.memref_squeeze %dma_wait3A_286 : memref<1x80xi32, #tpu.memory_space<vmem>> -> memref<80xi32, #tpu.memory_space<vmem>>
      %dma_wait3A_288 = arith.constant 0 : i32
      %dma_wait3A_289 = arith.constant 0 : i32
      %dma_wait3A_290 = tpu.memref_slice %arg2[%dma_wait3A_288, %dma_wait3A_289] : memref<10000x128xf32, #tpu.memory_space<hbm>> -> memref<10000x128xf32, #tpu.memory_space<hbm>>
      tpu.wait_indirect_dma semaphore(%arg14 : memref<!tpu.dma_semaphore, #tpu.memory_space<semaphore_mem>>) src(%dma_wait3A_290 : memref<10000x128xf32, #tpu.memory_space<hbm>>) dst(%arg9 : memref<80x128xf32, #tpu.memory_space<vmem>>)
      "tpu.region"() ({
        %run_scoped3A_472 = tpu.sem_alloc : memref<!tpu.dma_semaphore, #tpu.memory_space<semaphore_mem>>
        %dma_start3A_473 = arith.constant 0 : i32
        %dma_start3A_474 = tpu.memref_slice %arg8[%add3A_283, %dma_start3A_473] : memref<250x80xi32, #tpu.memory_space<vmem>> -> memref<1x80xi32, #tpu.memory_space<vmem>>
        %dma_start3A_475 = tpu.memref_squeeze %dma_start3A_474 : memref<1x80xi32, #tpu.memory_space<vmem>> -> memref<80xi32, #tpu.memory_space<vmem>>
        %dma_start3A_476 = arith.constant 0 : i32
        %dma_start3A_477 = arith.constant 0 : i32
        %dma_start3A_478 = tpu.memref_slice %arg13[%dma_start3A_476, %dma_start3A_477] : memref<5064x128xf32, #tpu.memory_space<vmem_shared>> -> memref<5064x128xf32, #tpu.memory_space<vmem_shared>>
        tpu.enqueue_indirect_dma source(%arg9 : memref<80x128xf32, #tpu.memory_space<vmem>>) target(%dma_start3A_478 : memref<5064x128xf32, #tpu.memory_space<vmem_shared>>) offsets(%dma_start3A_475 : memref<80xi32, #tpu.memory_space<vmem>>) semaphore(%run_scoped3A_472 : memref<!tpu.dma_semaphore, #tpu.memory_space<semaphore_mem>>) {add = true}
        %dma_wait3A_479 = arith.constant 0 : i32
        %dma_wait3A_480 = tpu.memref_slice %arg8[%add3A_283, %dma_wait3A_479] : memref<250x80xi32, #tpu.memory_space<vmem>> -> memref<1x80xi32, #tpu.memory_space<vmem>>
        %dma_wait3A_481 = tpu.memref_squeeze %dma_wait3A_480 : memref<1x80xi32, #tpu.memory_space<vmem>> -> memref<80xi32, #tpu.memory_space<vmem>>
        %dma_wait3A_482 = arith.constant 0 : i32
        %dma_wait3A_483 = arith.constant 0 : i32
        %dma_wait3A_484 = tpu.memref_slice %arg13[%dma_wait3A_482, %dma_wait3A_483] : memref<5064x128xf32, #tpu.memory_space<vmem_shared>> -> memref<5064x128xf32, #tpu.memory_space<vmem_shared>>
        tpu.wait_indirect_dma semaphore(%run_scoped3A_472 : memref<!tpu.dma_semaphore, #tpu.memory_space<semaphore_mem>>) src(%arg9 : memref<80x128xf32, #tpu.memory_space<vmem>>) dst(%dma_wait3A_484 : memref<5064x128xf32, #tpu.memory_space<vmem_shared>>)
        tpu.yield
      }) : () -> ()
      %add3A_291 = arith.constant 4 : i32
      %add3A_292 = arith.addi %add3A_283, %add3A_291 : i32
      %min3A_293 = arith.constant 249 : i32
      %min3A_294 = arith.minsi %add3A_292, %min3A_293 : i32
      %jit3A_295 = arith.constant 125 : i32
      %div3A_296 = arith.divsi %min3A_294, %jit3A_295 : i32
      %sign3A_297 = arith.constant 0 : i32
      %sign3A_298 = arith.cmpi sgt, %min3A_294, %sign3A_297 : i32
      %sign3A_299 = arith.extui %sign3A_298 : i1 to i32
      %sign3A_300 = arith.constant 0 : i32
      %sign3A_301 = arith.cmpi slt, %min3A_294, %sign3A_300 : i32
      %sign3A_302 = arith.extui %sign3A_301 : i1 to i32
      %sign3A_303 = arith.subi %sign3A_299, %sign3A_302 : i32
      %sign3A_304 = arith.constant 0 : i32
      %sign3A_305 = arith.cmpi sgt, %jit3A_295, %sign3A_304 : i32
      %sign3A_306 = arith.extui %sign3A_305 : i1 to i32
      %sign3A_307 = arith.constant 0 : i32
      %sign3A_308 = arith.cmpi slt, %jit3A_295, %sign3A_307 : i32
      %sign3A_309 = arith.extui %sign3A_308 : i1 to i32
      %sign3A_310 = arith.subi %sign3A_306, %sign3A_309 : i32
      %ne3A_311 = arith.cmpi ne, %sign3A_303, %sign3A_310 : i32
      %rem3A_312 = arith.remsi %min3A_294, %jit3A_295 : i32
      %ne3A_313 = arith.constant 0 : i32
      %ne3A_314 = arith.cmpi ne, %rem3A_312, %ne3A_313 : i32
      %and3A_315 = arith.andi %ne3A_311, %ne3A_314 : i1
      %sub3A_316 = arith.constant 1 : i32
      %sub3A_317 = arith.subi %div3A_296, %sub3A_316 : i32
      %select_n3A_318 = arith.select %and3A_315, %sub3A_317, %div3A_296 : i32
      %mul3A_319 = arith.constant 125 : i32
      %mul3A_320 = arith.muli %mul3A_319, %select_n3A_318 : i32
      %sub3A_321 = arith.subi %min3A_294, %mul3A_320 : i32
      %dma_start3A_322 = arith.constant 0 : i32
      %dma_start3A_323 = tpu.memref_slice %arg7[%sub3A_321, %dma_start3A_322] : memref<125x80xi32, #tpu.memory_space<vmem>> -> memref<1x80xi32, #tpu.memory_space<vmem>>
      %dma_start3A_324 = tpu.memref_squeeze %dma_start3A_323 : memref<1x80xi32, #tpu.memory_space<vmem>> -> memref<80xi32, #tpu.memory_space<vmem>>
      %dma_start3A_325 = arith.constant 0 : i32
      %dma_start3A_326 = arith.constant 0 : i32
      %dma_start3A_327 = tpu.memref_slice %arg2[%dma_start3A_325, %dma_start3A_326] : memref<10000x128xf32, #tpu.memory_space<hbm>> -> memref<10000x128xf32, #tpu.memory_space<hbm>>
      tpu.enqueue_indirect_dma source(%dma_start3A_327 : memref<10000x128xf32, #tpu.memory_space<hbm>>) target(%arg9 : memref<80x128xf32, #tpu.memory_space<vmem>>) offsets(%dma_start3A_324 : memref<80xi32, #tpu.memory_space<vmem>>) semaphore(%arg14 : memref<!tpu.dma_semaphore, #tpu.memory_space<semaphore_mem>>)
      %mul3A_328 = arith.constant 4 : i32
      %mul3A_329 = arith.muli %mul3A_328, %scan3A_279 : i32
      %add3A_330 = arith.constant 1 : i32
      %add3A_331 = arith.addi %mul3A_329, %add3A_330 : i32
      %dma_wait3A_332 = arith.constant 0 : i32
      %dma_wait3A_333 = arith.constant 0 : i32
      %dma_wait3A_334 = tpu.memref_slice %arg7[%dma_wait3A_332, %dma_wait3A_333] : memref<125x80xi32, #tpu.memory_space<vmem>> -> memref<1x80xi32, #tpu.memory_space<vmem>>
      %dma_wait3A_335 = tpu.memref_squeeze %dma_wait3A_334 : memref<1x80xi32, #tpu.memory_space<vmem>> -> memref<80xi32, #tpu.memory_space<vmem>>
      %dma_wait3A_336 = arith.constant 0 : i32
      %dma_wait3A_337 = arith.constant 0 : i32
      %dma_wait3A_338 = tpu.memref_slice %arg2[%dma_wait3A_336, %dma_wait3A_337] : memref<10000x128xf32, #tpu.memory_space<hbm>> -> memref<10000x128xf32, #tpu.memory_space<hbm>>
      tpu.wait_indirect_dma semaphore(%arg15 : memref<!tpu.dma_semaphore, #tpu.memory_space<semaphore_mem>>) src(%dma_wait3A_338 : memref<10000x128xf32, #tpu.memory_space<hbm>>) dst(%arg10 : memref<80x128xf32, #tpu.memory_space<vmem>>)
      "tpu.region"() ({
        %run_scoped3A_472 = tpu.sem_alloc : memref<!tpu.dma_semaphore, #tpu.memory_space<semaphore_mem>>
        %dma_start3A_473 = arith.constant 0 : i32
        %dma_start3A_474 = tpu.memref_slice %arg8[%add3A_331, %dma_start3A_473] : memref<250x80xi32, #tpu.memory_space<vmem>> -> memref<1x80xi32, #tpu.memory_space<vmem>>
        %dma_start3A_475 = tpu.memref_squeeze %dma_start3A_474 : memref<1x80xi32, #tpu.memory_space<vmem>> -> memref<80xi32, #tpu.memory_space<vmem>>
        %dma_start3A_476 = arith.constant 0 : i32
        %dma_start3A_477 = arith.constant 0 : i32
        %dma_start3A_478 = tpu.memref_slice %arg13[%dma_start3A_476, %dma_start3A_477] : memref<5064x128xf32, #tpu.memory_space<vmem_shared>> -> memref<5064x128xf32, #tpu.memory_space<vmem_shared>>
        tpu.enqueue_indirect_dma source(%arg10 : memref<80x128xf32, #tpu.memory_space<vmem>>) target(%dma_start3A_478 : memref<5064x128xf32, #tpu.memory_space<vmem_shared>>) offsets(%dma_start3A_475 : memref<80xi32, #tpu.memory_space<vmem>>) semaphore(%run_scoped3A_472 : memref<!tpu.dma_semaphore, #tpu.memory_space<semaphore_mem>>) {add = true}
        %dma_wait3A_479 = arith.constant 0 : i32
        %dma_wait3A_480 = tpu.memref_slice %arg8[%add3A_331, %dma_wait3A_479] : memref<250x80xi32, #tpu.memory_space<vmem>> -> memref<1x80xi32, #tpu.memory_space<vmem>>
        %dma_wait3A_481 = tpu.memref_squeeze %dma_wait3A_480 : memref<1x80xi32, #tpu.memory_space<vmem>> -> memref<80xi32, #tpu.memory_space<vmem>>
        %dma_wait3A_482 = arith.constant 0 : i32
        %dma_wait3A_483 = arith.constant 0 : i32
        %dma_wait3A_484 = tpu.memref_slice %arg13[%dma_wait3A_482, %dma_wait3A_483] : memref<5064x128xf32, #tpu.memory_space<vmem_shared>> -> memref<5064x128xf32, #tpu.memory_space<vmem_shared>>
        tpu.wait_indirect_dma semaphore(%run_scoped3A_472 : memref<!tpu.dma_semaphore, #tpu.memory_space<semaphore_mem>>) src(%arg10 : memref<80x128xf32, #tpu.memory_space<vmem>>) dst(%dma_wait3A_484 : memref<5064x128xf32, #tpu.memory_space<vmem_shared>>)
        tpu.yield
      }) : () -> ()
      %add3A_339 = arith.constant 4 : i32
      %add3A_340 = arith.addi %add3A_331, %add3A_339 : i32
      %min3A_341 = arith.constant 249 : i32
      %min3A_342 = arith.minsi %add3A_340, %min3A_341 : i32
      %jit3A_343 = arith.constant 125 : i32
      %div3A_344 = arith.divsi %min3A_342, %jit3A_343 : i32
      %sign3A_345 = arith.constant 0 : i32
      %sign3A_346 = arith.cmpi sgt, %min3A_342, %sign3A_345 : i32
      %sign3A_347 = arith.extui %sign3A_346 : i1 to i32
      %sign3A_348 = arith.constant 0 : i32
      %sign3A_349 = arith.cmpi slt, %min3A_342, %sign3A_348 : i32
      %sign3A_350 = arith.extui %sign3A_349 : i1 to i32
      %sign3A_351 = arith.subi %sign3A_347, %sign3A_350 : i32
      %sign3A_352 = arith.constant 0 : i32
      %sign3A_353 = arith.cmpi sgt, %jit3A_343, %sign3A_352 : i32
      %sign3A_354 = arith.extui %sign3A_353 : i1 to i32
      %sign3A_355 = arith.constant 0 : i32
      %sign3A_356 = arith.cmpi slt, %jit3A_343, %sign3A_355 : i32
      %sign3A_357 = arith.extui %sign3A_356 : i1 to i32
      %sign3A_358 = arith.subi %sign3A_354, %sign3A_357 : i32
      %ne3A_359 = arith.cmpi ne, %sign3A_351, %sign3A_358 : i32
      %rem3A_360 = arith.remsi %min3A_342, %jit3A_343 : i32
      %ne3A_361 = arith.constant 0 : i32
      %ne3A_362 = arith.cmpi ne, %rem3A_360, %ne3A_361 : i32
      %and3A_363 = arith.andi %ne3A_359, %ne3A_362 : i1
      %sub3A_364 = arith.constant 1 : i32
      %sub3A_365 = arith.subi %div3A_344, %sub3A_364 : i32
      %select_n3A_366 = arith.select %and3A_363, %sub3A_365, %div3A_344 : i32
      %mul3A_367 = arith.constant 125 : i32
      %mul3A_368 = arith.muli %mul3A_367, %select_n3A_366 : i32
      %sub3A_369 = arith.subi %min3A_342, %mul3A_368 : i32
      %dma_start3A_370 = arith.constant 0 : i32
      %dma_start3A_371 = tpu.memref_slice %arg7[%sub3A_369, %dma_start3A_370] : memref<125x80xi32, #tpu.memory_space<vmem>> -> memref<1x80xi32, #tpu.memory_space<vmem>>
      %dma_start3A_372 = tpu.memref_squeeze %dma_start3A_371 : memref<1x80xi32, #tpu.memory_space<vmem>> -> memref<80xi32, #tpu.memory_space<vmem>>
      %dma_start3A_373 = arith.constant 0 : i32
      %dma_start3A_374 = arith.constant 0 : i32
      %dma_start3A_375 = tpu.memref_slice %arg2[%dma_start3A_373, %dma_start3A_374] : memref<10000x128xf32, #tpu.memory_space<hbm>> -> memref<10000x128xf32, #tpu.memory_space<hbm>>
      tpu.enqueue_indirect_dma source(%dma_start3A_375 : memref<10000x128xf32, #tpu.memory_space<hbm>>) target(%arg10 : memref<80x128xf32, #tpu.memory_space<vmem>>) offsets(%dma_start3A_372 : memref<80xi32, #tpu.memory_space<vmem>>) semaphore(%arg15 : memref<!tpu.dma_semaphore, #tpu.memory_space<semaphore_mem>>)
      %mul3A_376 = arith.constant 4 : i32
      %mul3A_377 = arith.muli %mul3A_376, %scan3A_279 : i32
      %add3A_378 = arith.constant 2 : i32
      %add3A_379 = arith.addi %mul3A_377, %add3A_378 : i32
      %dma_wait3A_380 = arith.constant 0 : i32
      %dma_wait3A_381 = arith.constant 0 : i32
      %dma_wait3A_382 = tpu.memref_slice %arg7[%dma_wait3A_380, %dma_wait3A_381] : memref<125x80xi32, #tpu.memory_space<vmem>> -> memref<1x80xi32, #tpu.memory_space<vmem>>
      %dma_wait3A_383 = tpu.memref_squeeze %dma_wait3A_382 : memref<1x80xi32, #tpu.memory_space<vmem>> -> memref<80xi32, #tpu.memory_space<vmem>>
      %dma_wait3A_384 = arith.constant 0 : i32
      %dma_wait3A_385 = arith.constant 0 : i32
      %dma_wait3A_386 = tpu.memref_slice %arg2[%dma_wait3A_384, %dma_wait3A_385] : memref<10000x128xf32, #tpu.memory_space<hbm>> -> memref<10000x128xf32, #tpu.memory_space<hbm>>
      tpu.wait_indirect_dma semaphore(%arg16 : memref<!tpu.dma_semaphore, #tpu.memory_space<semaphore_mem>>) src(%dma_wait3A_386 : memref<10000x128xf32, #tpu.memory_space<hbm>>) dst(%arg11 : memref<80x128xf32, #tpu.memory_space<vmem>>)
      "tpu.region"() ({
        %run_scoped3A_472 = tpu.sem_alloc : memref<!tpu.dma_semaphore, #tpu.memory_space<semaphore_mem>>
        %dma_start3A_473 = arith.constant 0 : i32
        %dma_start3A_474 = tpu.memref_slice %arg8[%add3A_379, %dma_start3A_473] : memref<250x80xi32, #tpu.memory_space<vmem>> -> memref<1x80xi32, #tpu.memory_space<vmem>>
        %dma_start3A_475 = tpu.memref_squeeze %dma_start3A_474 : memref<1x80xi32, #tpu.memory_space<vmem>> -> memref<80xi32, #tpu.memory_space<vmem>>
        %dma_start3A_476 = arith.constant 0 : i32
        %dma_start3A_477 = arith.constant 0 : i32
        %dma_start3A_478 = tpu.memref_slice %arg13[%dma_start3A_476, %dma_start3A_477] : memref<5064x128xf32, #tpu.memory_space<vmem_shared>> -> memref<5064x128xf32, #tpu.memory_space<vmem_shared>>
        tpu.enqueue_indirect_dma source(%arg11 : memref<80x128xf32, #tpu.memory_space<vmem>>) target(%dma_start3A_478 : memref<5064x128xf32, #tpu.memory_space<vmem_shared>>) offsets(%dma_start3A_475 : memref<80xi32, #tpu.memory_space<vmem>>) semaphore(%run_scoped3A_472 : memref<!tpu.dma_semaphore, #tpu.memory_space<semaphore_mem>>) {add = true}
        %dma_wait3A_479 = arith.constant 0 : i32
        %dma_wait3A_480 = tpu.memref_slice %arg8[%add3A_379, %dma_wait3A_479] : memref<250x80xi32, #tpu.memory_space<vmem>> -> memref<1x80xi32, #tpu.memory_space<vmem>>
        %dma_wait3A_481 = tpu.memref_squeeze %dma_wait3A_480 : memref<1x80xi32, #tpu.memory_space<vmem>> -> memref<80xi32, #tpu.memory_space<vmem>>
        %dma_wait3A_482 = arith.constant 0 : i32
        %dma_wait3A_483 = arith.constant 0 : i32
        %dma_wait3A_484 = tpu.memref_slice %arg13[%dma_wait3A_482, %dma_wait3A_483] : memref<5064x128xf32, #tpu.memory_space<vmem_shared>> -> memref<5064x128xf32, #tpu.memory_space<vmem_shared>>
        tpu.wait_indirect_dma semaphore(%run_scoped3A_472 : memref<!tpu.dma_semaphore, #tpu.memory_space<semaphore_mem>>) src(%arg11 : memref<80x128xf32, #tpu.memory_space<vmem>>) dst(%dma_wait3A_484 : memref<5064x128xf32, #tpu.memory_space<vmem_shared>>)
        tpu.yield
      }) : () -> ()
      %add3A_387 = arith.constant 4 : i32
      %add3A_388 = arith.addi %add3A_379, %add3A_387 : i32
      %min3A_389 = arith.constant 249 : i32
      %min3A_390 = arith.minsi %add3A_388, %min3A_389 : i32
      %jit3A_391 = arith.constant 125 : i32
      %div3A_392 = arith.divsi %min3A_390, %jit3A_391 : i32
      %sign3A_393 = arith.constant 0 : i32
      %sign3A_394 = arith.cmpi sgt, %min3A_390, %sign3A_393 : i32
      %sign3A_395 = arith.extui %sign3A_394 : i1 to i32
      %sign3A_396 = arith.constant 0 : i32
      %sign3A_397 = arith.cmpi slt, %min3A_390, %sign3A_396 : i32
      %sign3A_398 = arith.extui %sign3A_397 : i1 to i32
      %sign3A_399 = arith.subi %sign3A_395, %sign3A_398 : i32
      %sign3A_400 = arith.constant 0 : i32
      %sign3A_401 = arith.cmpi sgt, %jit3A_391, %sign3A_400 : i32
      %sign3A_402 = arith.extui %sign3A_401 : i1 to i32
      %sign3A_403 = arith.constant 0 : i32
      %sign3A_404 = arith.cmpi slt, %jit3A_391, %sign3A_403 : i32
      %sign3A_405 = arith.extui %sign3A_404 : i1 to i32
      %sign3A_406 = arith.subi %sign3A_402, %sign3A_405 : i32
      %ne3A_407 = arith.cmpi ne, %sign3A_399, %sign3A_406 : i32
      %rem3A_408 = arith.remsi %min3A_390, %jit3A_391 : i32
      %ne3A_409 = arith.constant 0 : i32
      %ne3A_410 = arith.cmpi ne, %rem3A_408, %ne3A_409 : i32
      %and3A_411 = arith.andi %ne3A_407, %ne3A_410 : i1
      %sub3A_412 = arith.constant 1 : i32
      %sub3A_413 = arith.subi %div3A_392, %sub3A_412 : i32
      %select_n3A_414 = arith.select %and3A_411, %sub3A_413, %div3A_392 : i32
      %mul3A_415 = arith.constant 125 : i32
      %mul3A_416 = arith.muli %mul3A_415, %select_n3A_414 : i32
      %sub3A_417 = arith.subi %min3A_390, %mul3A_416 : i32
      %dma_start3A_418 = arith.constant 0 : i32
      %dma_start3A_419 = tpu.memref_slice %arg7[%sub3A_417, %dma_start3A_418] : memref<125x80xi32, #tpu.memory_space<vmem>> -> memref<1x80xi32, #tpu.memory_space<vmem>>
      %dma_start3A_420 = tpu.memref_squeeze %dma_start3A_419 : memref<1x80xi32, #tpu.memory_space<vmem>> -> memref<80xi32, #tpu.memory_space<vmem>>
      %dma_start3A_421 = arith.constant 0 : i32
      %dma_start3A_422 = arith.constant 0 : i32
      %dma_start3A_423 = tpu.memref_slice %arg2[%dma_start3A_421, %dma_start3A_422] : memref<10000x128xf32, #tpu.memory_space<hbm>> -> memref<10000x128xf32, #tpu.memory_space<hbm>>
      tpu.enqueue_indirect_dma source(%dma_start3A_423 : memref<10000x128xf32, #tpu.memory_space<hbm>>) target(%arg11 : memref<80x128xf32, #tpu.memory_space<vmem>>) offsets(%dma_start3A_420 : memref<80xi32, #tpu.memory_space<vmem>>) semaphore(%arg16 : memref<!tpu.dma_semaphore, #tpu.memory_space<semaphore_mem>>)
      %mul3A_424 = arith.constant 4 : i32
      %mul3A_425 = arith.muli %mul3A_424, %scan3A_279 : i32
      %add3A_426 = arith.constant 3 : i32
      %add3A_427 = arith.addi %mul3A_425, %add3A_426 : i32
      %dma_wait3A_428 = arith.constant 0 : i32
      %dma_wait3A_429 = arith.constant 0 : i32
      %dma_wait3A_430 = tpu.memref_slice %arg7[%dma_wait3A_428, %dma_wait3A_429] : memref<125x80xi32, #tpu.memory_space<vmem>> -> memref<1x80xi32, #tpu.memory_space<vmem>>
      %dma_wait3A_431 = tpu.memref_squeeze %dma_wait3A_430 : memref<1x80xi32, #tpu.memory_space<vmem>> -> memref<80xi32, #tpu.memory_space<vmem>>
      %dma_wait3A_432 = arith.constant 0 : i32
      %dma_wait3A_433 = arith.constant 0 : i32
      %dma_wait3A_434 = tpu.memref_slice %arg2[%dma_wait3A_432, %dma_wait3A_433] : memref<10000x128xf32, #tpu.memory_space<hbm>> -> memref<10000x128xf32, #tpu.memory_space<hbm>>
      tpu.wait_indirect_dma semaphore(%arg17 : memref<!tpu.dma_semaphore, #tpu.memory_space<semaphore_mem>>) src(%dma_wait3A_434 : memref<10000x128xf32, #tpu.memory_space<hbm>>) dst(%arg12 : memref<80x128xf32, #tpu.memory_space<vmem>>)
      "tpu.region"() ({
        %run_scoped3A_472 = tpu.sem_alloc : memref<!tpu.dma_semaphore, #tpu.memory_space<semaphore_mem>>
        %dma_start3A_473 = arith.constant 0 : i32
        %dma_start3A_474 = tpu.memref_slice %arg8[%add3A_427, %dma_start3A_473] : memref<250x80xi32, #tpu.memory_space<vmem>> -> memref<1x80xi32, #tpu.memory_space<vmem>>
        %dma_start3A_475 = tpu.memref_squeeze %dma_start3A_474 : memref<1x80xi32, #tpu.memory_space<vmem>> -> memref<80xi32, #tpu.memory_space<vmem>>
        %dma_start3A_476 = arith.constant 0 : i32
        %dma_start3A_477 = arith.constant 0 : i32
        %dma_start3A_478 = tpu.memref_slice %arg13[%dma_start3A_476, %dma_start3A_477] : memref<5064x128xf32, #tpu.memory_space<vmem_shared>> -> memref<5064x128xf32, #tpu.memory_space<vmem_shared>>
        tpu.enqueue_indirect_dma source(%arg12 : memref<80x128xf32, #tpu.memory_space<vmem>>) target(%dma_start3A_478 : memref<5064x128xf32, #tpu.memory_space<vmem_shared>>) offsets(%dma_start3A_475 : memref<80xi32, #tpu.memory_space<vmem>>) semaphore(%run_scoped3A_472 : memref<!tpu.dma_semaphore, #tpu.memory_space<semaphore_mem>>) {add = true}
        %dma_wait3A_479 = arith.constant 0 : i32
        %dma_wait3A_480 = tpu.memref_slice %arg8[%add3A_427, %dma_wait3A_479] : memref<250x80xi32, #tpu.memory_space<vmem>> -> memref<1x80xi32, #tpu.memory_space<vmem>>
        %dma_wait3A_481 = tpu.memref_squeeze %dma_wait3A_480 : memref<1x80xi32, #tpu.memory_space<vmem>> -> memref<80xi32, #tpu.memory_space<vmem>>
        %dma_wait3A_482 = arith.constant 0 : i32
        %dma_wait3A_483 = arith.constant 0 : i32
        %dma_wait3A_484 = tpu.memref_slice %arg13[%dma_wait3A_482, %dma_wait3A_483] : memref<5064x128xf32, #tpu.memory_space<vmem_shared>> -> memref<5064x128xf32, #tpu.memory_space<vmem_shared>>
        tpu.wait_indirect_dma semaphore(%run_scoped3A_472 : memref<!tpu.dma_semaphore, #tpu.memory_space<semaphore_mem>>) src(%arg12 : memref<80x128xf32, #tpu.memory_space<vmem>>) dst(%dma_wait3A_484 : memref<5064x128xf32, #tpu.memory_space<vmem_shared>>)
        tpu.yield
      }) : () -> ()
      %add3A_435 = arith.constant 4 : i32
      %add3A_436 = arith.addi %add3A_427, %add3A_435 : i32
      %min3A_437 = arith.constant 249 : i32
      %min3A_438 = arith.minsi %add3A_436, %min3A_437 : i32
      %jit3A_439 = arith.constant 125 : i32
      %div3A_440 = arith.divsi %min3A_438, %jit3A_439 : i32
      %sign3A_441 = arith.constant 0 : i32
      %sign3A_442 = arith.cmpi sgt, %min3A_438, %sign3A_441 : i32
      %sign3A_443 = arith.extui %sign3A_442 : i1 to i32
      %sign3A_444 = arith.constant 0 : i32
      %sign3A_445 = arith.cmpi slt, %min3A_438, %sign3A_444 : i32
      %sign3A_446 = arith.extui %sign3A_445 : i1 to i32
      %sign3A_447 = arith.subi %sign3A_443, %sign3A_446 : i32
      %sign3A_448 = arith.constant 0 : i32
      %sign3A_449 = arith.cmpi sgt, %jit3A_439, %sign3A_448 : i32
      %sign3A_450 = arith.extui %sign3A_449 : i1 to i32
      %sign3A_451 = arith.constant 0 : i32
      %sign3A_452 = arith.cmpi slt, %jit3A_439, %sign3A_451 : i32
      %sign3A_453 = arith.extui %sign3A_452 : i1 to i32
      %sign3A_454 = arith.subi %sign3A_450, %sign3A_453 : i32
      %ne3A_455 = arith.cmpi ne, %sign3A_447, %sign3A_454 : i32
      %rem3A_456 = arith.remsi %min3A_438, %jit3A_439 : i32
      %ne3A_457 = arith.constant 0 : i32
      %ne3A_458 = arith.cmpi ne, %rem3A_456, %ne3A_457 : i32
      %and3A_459 = arith.andi %ne3A_455, %ne3A_458 : i1
      %sub3A_460 = arith.constant 1 : i32
      %sub3A_461 = arith.subi %div3A_440, %sub3A_460 : i32
      %select_n3A_462 = arith.select %and3A_459, %sub3A_461, %div3A_440 : i32
      %mul3A_463 = arith.constant 125 : i32
      %mul3A_464 = arith.muli %mul3A_463, %select_n3A_462 : i32
      %sub3A_465 = arith.subi %min3A_438, %mul3A_464 : i32
      %dma_start3A_466 = arith.constant 0 : i32
      %dma_start3A_467 = tpu.memref_slice %arg7[%sub3A_465, %dma_start3A_466] : memref<125x80xi32, #tpu.memory_space<vmem>> -> memref<1x80xi32, #tpu.memory_space<vmem>>
      %dma_start3A_468 = tpu.memref_squeeze %dma_start3A_467 : memref<1x80xi32, #tpu.memory_space<vmem>> -> memref<80xi32, #tpu.memory_space<vmem>>
      %dma_start3A_469 = arith.constant 0 : i32
      %dma_start3A_470 = arith.constant 0 : i32
      %dma_start3A_471 = tpu.memref_slice %arg2[%dma_start3A_469, %dma_start3A_470] : memref<10000x128xf32, #tpu.memory_space<hbm>> -> memref<10000x128xf32, #tpu.memory_space<hbm>>
      tpu.enqueue_indirect_dma source(%dma_start3A_471 : memref<10000x128xf32, #tpu.memory_space<hbm>>) target(%arg12 : memref<80x128xf32, #tpu.memory_space<vmem>>) offsets(%dma_start3A_468 : memref<80xi32, #tpu.memory_space<vmem>>) semaphore(%arg17 : memref<!tpu.dma_semaphore, #tpu.memory_space<semaphore_mem>>)
    }
    %scan3A_155 = arith.constant 31 : i32
    %dma_wait3A = arith.constant 0 : i32
    %dma_wait3A_156 = arith.constant 0 : i32
    %dma_wait3A_157 = tpu.memref_slice %arg7[%dma_wait3A, %dma_wait3A_156] : memref<125x80xi32, #tpu.memory_space<vmem>> -> memref<1x80xi32, #tpu.memory_space<vmem>>
    %dma_wait3A_158 = tpu.memref_squeeze %dma_wait3A_157 : memref<1x80xi32, #tpu.memory_space<vmem>> -> memref<80xi32, #tpu.memory_space<vmem>>
    %dma_wait3A_159 = arith.constant 0 : i32
    %dma_wait3A_160 = arith.constant 0 : i32
    %dma_wait3A_161 = tpu.memref_slice %arg2[%dma_wait3A_159, %dma_wait3A_160] : memref<10000x128xf32, #tpu.memory_space<hbm>> -> memref<10000x128xf32, #tpu.memory_space<hbm>>
    tpu.wait_indirect_dma semaphore(%arg14 : memref<!tpu.dma_semaphore, #tpu.memory_space<semaphore_mem>>) src(%dma_wait3A_161 : memref<10000x128xf32, #tpu.memory_space<hbm>>) dst(%arg9 : memref<80x128xf32, #tpu.memory_space<vmem>>)
    %run_scoped3A = arith.constant 124 : i32
    "tpu.region"() ({
      %run_scoped3A_279 = tpu.sem_alloc : memref<!tpu.dma_semaphore, #tpu.memory_space<semaphore_mem>>
      %dma_start3A_280 = arith.constant 0 : i32
      %dma_start3A_281 = tpu.memref_slice %arg8[%run_scoped3A, %dma_start3A_280] : memref<250x80xi32, #tpu.memory_space<vmem>> -> memref<1x80xi32, #tpu.memory_space<vmem>>
      %dma_start3A_282 = tpu.memref_squeeze %dma_start3A_281 : memref<1x80xi32, #tpu.memory_space<vmem>> -> memref<80xi32, #tpu.memory_space<vmem>>
      %dma_start3A_283 = arith.constant 0 : i32
      %dma_start3A_284 = arith.constant 0 : i32
      %dma_start3A_285 = tpu.memref_slice %arg13[%dma_start3A_283, %dma_start3A_284] : memref<5064x128xf32, #tpu.memory_space<vmem_shared>> -> memref<5064x128xf32, #tpu.memory_space<vmem_shared>>
      tpu.enqueue_indirect_dma source(%arg9 : memref<80x128xf32, #tpu.memory_space<vmem>>) target(%dma_start3A_285 : memref<5064x128xf32, #tpu.memory_space<vmem_shared>>) offsets(%dma_start3A_282 : memref<80xi32, #tpu.memory_space<vmem>>) semaphore(%run_scoped3A_279 : memref<!tpu.dma_semaphore, #tpu.memory_space<semaphore_mem>>) {add = true}
      %dma_wait3A_286 = arith.constant 0 : i32
      %dma_wait3A_287 = tpu.memref_slice %arg8[%run_scoped3A, %dma_wait3A_286] : memref<250x80xi32, #tpu.memory_space<vmem>> -> memref<1x80xi32, #tpu.memory_space<vmem>>
      %dma_wait3A_288 = tpu.memref_squeeze %dma_wait3A_287 : memref<1x80xi32, #tpu.memory_space<vmem>> -> memref<80xi32, #tpu.memory_space<vmem>>
      %dma_wait3A_289 = arith.constant 0 : i32
      %dma_wait3A_290 = arith.constant 0 : i32
      %dma_wait3A_291 = tpu.memref_slice %arg13[%dma_wait3A_289, %dma_wait3A_290] : memref<5064x128xf32, #tpu.memory_space<vmem_shared>> -> memref<5064x128xf32, #tpu.memory_space<vmem_shared>>
      tpu.wait_indirect_dma semaphore(%run_scoped3A_279 : memref<!tpu.dma_semaphore, #tpu.memory_space<semaphore_mem>>) src(%arg9 : memref<80x128xf32, #tpu.memory_space<vmem>>) dst(%dma_wait3A_291 : memref<5064x128xf32, #tpu.memory_space<vmem_shared>>)
      tpu.yield
    }) : () -> ()
    %min3A_162 = arith.constant 128 : i32
    %min3A_163 = arith.constant 249 : i32
    %min3A_164 = arith.minsi %min3A_162, %min3A_163 : i32
    %jit3A_165 = arith.constant 125 : i32
    %div3A_166 = arith.divsi %min3A_164, %jit3A_165 : i32
    %sign3A_167 = arith.constant 0 : i32
    %sign3A_168 = arith.cmpi sgt, %min3A_164, %sign3A_167 : i32
    %sign3A_169 = arith.extui %sign3A_168 : i1 to i32
    %sign3A_170 = arith.constant 0 : i32
    %sign3A_171 = arith.cmpi slt, %min3A_164, %sign3A_170 : i32
    %sign3A_172 = arith.extui %sign3A_171 : i1 to i32
    %sign3A_173 = arith.subi %sign3A_169, %sign3A_172 : i32
    %sign3A_174 = arith.constant 0 : i32
    %sign3A_175 = arith.cmpi sgt, %jit3A_165, %sign3A_174 : i32
    %sign3A_176 = arith.extui %sign3A_175 : i1 to i32
    %sign3A_177 = arith.constant 0 : i32
    %sign3A_178 = arith.cmpi slt, %jit3A_165, %sign3A_177 : i32
    %sign3A_179 = arith.extui %sign3A_178 : i1 to i32
    %sign3A_180 = arith.subi %sign3A_176, %sign3A_179 : i32
    %ne3A_181 = arith.cmpi ne, %sign3A_173, %sign3A_180 : i32
    %rem3A_182 = arith.remsi %min3A_164, %jit3A_165 : i32
    %ne3A_183 = arith.constant 0 : i32
    %ne3A_184 = arith.cmpi ne, %rem3A_182, %ne3A_183 : i32
    %and3A_185 = arith.andi %ne3A_181, %ne3A_184 : i1
    %sub3A_186 = arith.constant 1 : i32
    %sub3A_187 = arith.subi %div3A_166, %sub3A_186 : i32
    %select_n3A_188 = arith.select %and3A_185, %sub3A_187, %div3A_166 : i32
    %mul3A_189 = arith.constant 125 : i32
    %mul3A_190 = arith.muli %mul3A_189, %select_n3A_188 : i32
    %sub3A_191 = arith.subi %min3A_164, %mul3A_190 : i32
    %dma_start3A_192 = arith.constant 0 : i32
    %dma_start3A_193 = tpu.memref_slice %arg7[%sub3A_191, %dma_start3A_192] : memref<125x80xi32, #tpu.memory_space<vmem>> -> memref<1x80xi32, #tpu.memory_space<vmem>>
    %dma_start3A_194 = tpu.memref_squeeze %dma_start3A_193 : memref<1x80xi32, #tpu.memory_space<vmem>> -> memref<80xi32, #tpu.memory_space<vmem>>
    %dma_start3A_195 = arith.constant 0 : i32
    %dma_start3A_196 = arith.constant 0 : i32
    %dma_start3A_197 = tpu.memref_slice %arg2[%dma_start3A_195, %dma_start3A_196] : memref<10000x128xf32, #tpu.memory_space<hbm>> -> memref<10000x128xf32, #tpu.memory_space<hbm>>
    tpu.enqueue_indirect_dma source(%dma_start3A_197 : memref<10000x128xf32, #tpu.memory_space<hbm>>) target(%arg9 : memref<80x128xf32, #tpu.memory_space<vmem>>) offsets(%dma_start3A_194 : memref<80xi32, #tpu.memory_space<vmem>>) semaphore(%arg14 : memref<!tpu.dma_semaphore, #tpu.memory_space<semaphore_mem>>)
    %barrier3A_198 = arith.constant 0 : index
    tpu.barrier barrier_id(%barrier3A_198)
    %mul3A_199 = arith.constant 312 : i32
    %mul3A_200 = arith.muli %arg1, %mul3A_199 : i32
    %mul3A_201 = arith.constant 312 : i32
    %mul3A_202 = arith.muli %arg1, %mul3A_201 : i32
    %add3A_203 = arith.constant 0 : i32
    %add3A_204 = arith.addi %add3A_203, %mul3A_202 : i32
    "tpu.region"() ({
      %run_scoped3A_279 = tpu.sem_alloc : memref<!tpu.dma_semaphore, #tpu.memory_space<semaphore_mem>>
      %dma_start3A_280 = arith.constant 0 : i32
      %dma_start3A_281 = tpu.memref_slice %arg6[%arg0, %add3A_204, %dma_start3A_280] : memref<2x10000x128xf32, #tpu.memory_space<hbm>> -> memref<1x312x128xf32, #tpu.memory_space<hbm>>
      %dma_start3A_282 = tpu.memref_squeeze %dma_start3A_281 : memref<1x312x128xf32, #tpu.memory_space<hbm>> -> memref<312x128xf32, #tpu.memory_space<hbm>>
      %dma_start3A_283 = arith.constant 0 : i32
      %dma_start3A_284 = tpu.memref_slice %arg13[%mul3A_200, %dma_start3A_283] : memref<5064x128xf32, #tpu.memory_space<vmem_shared>> -> memref<312x128xf32, #tpu.memory_space<vmem_shared>>
      tpu.enqueue_dma source(%dma_start3A_284 : memref<312x128xf32, #tpu.memory_space<vmem_shared>>) target(%dma_start3A_282 : memref<312x128xf32, #tpu.memory_space<hbm>>) target_semaphore(%run_scoped3A_279 : memref<!tpu.dma_semaphore, #tpu.memory_space<semaphore_mem>>)
      %dma_wait3A_285 = arith.constant 0 : i32
      %dma_wait3A_286 = tpu.memref_slice %arg6[%arg0, %add3A_204, %dma_wait3A_285] : memref<2x10000x128xf32, #tpu.memory_space<hbm>> -> memref<1x312x128xf32, #tpu.memory_space<hbm>>
      %dma_wait3A_287 = tpu.memref_squeeze %dma_wait3A_286 : memref<1x312x128xf32, #tpu.memory_space<hbm>> -> memref<312x128xf32, #tpu.memory_space<hbm>>
      %dma_wait3A_288 = arith.constant 0 : i32
      %dma_wait3A_289 = tpu.memref_slice %arg13[%mul3A_200, %dma_wait3A_288] : memref<5064x128xf32, #tpu.memory_space<vmem_shared>> -> memref<312x128xf32, #tpu.memory_space<vmem_shared>>
      tpu.wait_dma2 semaphore(%run_scoped3A_279 : memref<!tpu.dma_semaphore, #tpu.memory_space<semaphore_mem>>) src(%dma_wait3A_289 : memref<312x128xf32, #tpu.memory_space<vmem_shared>>) dst(%dma_wait3A_287 : memref<312x128xf32, #tpu.memory_space<hbm>>)
      tpu.yield
    }) : () -> ()
    %eq3A_205 = arith.constant 0 : i32
    %eq3A_206 = arith.cmpi eq, %arg1, %eq3A_205 : i32
    %convert_element_type3A_207 = arith.extui %eq3A_206 : i1 to i32
    %cond3A_208 = arith.constant 0 : i32
    %cond3A_209 = arith.cmpi ne, %convert_element_type3A_207, %cond3A_208 : i32
    scf.if %cond3A_209 {
      "tpu.region"() ({
        %run_scoped3A_279 = tpu.sem_alloc : memref<!tpu.dma_semaphore, #tpu.memory_space<semaphore_mem>>
        %dma_start3A_280 = arith.constant 4992 : i32
        %dma_start3A_281 = arith.constant 0 : i32
        %dma_start3A_282 = tpu.memref_slice %arg6[%arg0, %dma_start3A_280, %dma_start3A_281] : memref<2x10000x128xf32, #tpu.memory_space<hbm>> -> memref<1x8x128xf32, #tpu.memory_space<hbm>>
        %dma_start3A_283 = tpu.memref_squeeze %dma_start3A_282 : memref<1x8x128xf32, #tpu.memory_space<hbm>> -> memref<8x128xf32, #tpu.memory_space<hbm>>
        %dma_start3A_284 = arith.constant 4992 : i32
        %dma_start3A_285 = arith.constant 0 : i32
        %dma_start3A_286 = tpu.memref_slice %arg13[%dma_start3A_284, %dma_start3A_285] : memref<5064x128xf32, #tpu.memory_space<vmem_shared>> -> memref<8x128xf32, #tpu.memory_space<vmem_shared>>
        tpu.enqueue_dma source(%dma_start3A_286 : memref<8x128xf32, #tpu.memory_space<vmem_shared>>) target(%dma_start3A_283 : memref<8x128xf32, #tpu.memory_space<hbm>>) target_semaphore(%run_scoped3A_279 : memref<!tpu.dma_semaphore, #tpu.memory_space<semaphore_mem>>)
        %dma_wait3A_287 = arith.constant 4992 : i32
        %dma_wait3A_288 = arith.constant 0 : i32
        %dma_wait3A_289 = tpu.memref_slice %arg6[%arg0, %dma_wait3A_287, %dma_wait3A_288] : memref<2x10000x128xf32, #tpu.memory_space<hbm>> -> memref<1x8x128xf32, #tpu.memory_space<hbm>>
        %dma_wait3A_290 = tpu.memref_squeeze %dma_wait3A_289 : memref<1x8x128xf32, #tpu.memory_space<hbm>> -> memref<8x128xf32, #tpu.memory_space<hbm>>
        %dma_wait3A_291 = arith.constant 4992 : i32
        %dma_wait3A_292 = arith.constant 0 : i32
        %dma_wait3A_293 = tpu.memref_slice %arg13[%dma_wait3A_291, %dma_wait3A_292] : memref<5064x128xf32, #tpu.memory_space<vmem_shared>> -> memref<8x128xf32, #tpu.memory_space<vmem_shared>>
        tpu.wait_dma2 semaphore(%run_scoped3A_279 : memref<!tpu.dma_semaphore, #tpu.memory_space<semaphore_mem>>) src(%dma_wait3A_293 : memref<8x128xf32, #tpu.memory_space<vmem_shared>>) dst(%dma_wait3A_290 : memref<8x128xf32, #tpu.memory_space<hbm>>)
        tpu.yield
      }) : () -> ()
    } else {
    }
    %barrier3A_210 = arith.constant 0 : index
    tpu.barrier barrier_id(%barrier3A_210)
    %mul3A_211 = arith.constant 312 : i32
    %mul3A_212 = arith.muli %arg1, %mul3A_211 : i32
    %add3A_213 = arith.constant 0 : i32
    %add3A_214 = arith.addi %mul3A_212, %add3A_213 : i32
    "tpu.region"() ({
      %run_scoped3A_279 = tpu.sem_alloc : memref<!tpu.dma_semaphore, #tpu.memory_space<semaphore_mem>>
      %dma_start3A_280 = arith.constant 0 : i32
      %dma_start3A_281 = tpu.memref_slice %arg13[%add3A_214, %dma_start3A_280] : memref<5064x128xf32, #tpu.memory_space<vmem_shared>> -> memref<80x128xf32, #tpu.memory_space<vmem_shared>>
      tpu.enqueue_dma source(%arg5 : memref<80x128xf32, #tpu.memory_space<hbm>>) target(%dma_start3A_281 : memref<80x128xf32, #tpu.memory_space<vmem_shared>>) target_semaphore(%run_scoped3A_279 : memref<!tpu.dma_semaphore, #tpu.memory_space<semaphore_mem>>)
      %dma_wait3A_282 = arith.constant 0 : i32
      %dma_wait3A_283 = tpu.memref_slice %arg13[%add3A_214, %dma_wait3A_282] : memref<5064x128xf32, #tpu.memory_space<vmem_shared>> -> memref<80x128xf32, #tpu.memory_space<vmem_shared>>
      tpu.wait_dma2 semaphore(%run_scoped3A_279 : memref<!tpu.dma_semaphore, #tpu.memory_space<semaphore_mem>>) src(%arg5 : memref<80x128xf32, #tpu.memory_space<hbm>>) dst(%dma_wait3A_283 : memref<80x128xf32, #tpu.memory_space<vmem_shared>>)
      tpu.yield
    }) : () -> ()
    %add3A_215 = arith.constant 80 : i32
    %add3A_216 = arith.addi %mul3A_212, %add3A_215 : i32
    "tpu.region"() ({
      %run_scoped3A_279 = tpu.sem_alloc : memref<!tpu.dma_semaphore, #tpu.memory_space<semaphore_mem>>
      %dma_start3A_280 = arith.constant 0 : i32
      %dma_start3A_281 = tpu.memref_slice %arg13[%add3A_216, %dma_start3A_280] : memref<5064x128xf32, #tpu.memory_space<vmem_shared>> -> memref<80x128xf32, #tpu.memory_space<vmem_shared>>
      tpu.enqueue_dma source(%arg5 : memref<80x128xf32, #tpu.memory_space<hbm>>) target(%dma_start3A_281 : memref<80x128xf32, #tpu.memory_space<vmem_shared>>) target_semaphore(%run_scoped3A_279 : memref<!tpu.dma_semaphore, #tpu.memory_space<semaphore_mem>>)
      %dma_wait3A_282 = arith.constant 0 : i32
      %dma_wait3A_283 = tpu.memref_slice %arg13[%add3A_216, %dma_wait3A_282] : memref<5064x128xf32, #tpu.memory_space<vmem_shared>> -> memref<80x128xf32, #tpu.memory_space<vmem_shared>>
      tpu.wait_dma2 semaphore(%run_scoped3A_279 : memref<!tpu.dma_semaphore, #tpu.memory_space<semaphore_mem>>) src(%arg5 : memref<80x128xf32, #tpu.memory_space<hbm>>) dst(%dma_wait3A_283 : memref<80x128xf32, #tpu.memory_space<vmem_shared>>)
      tpu.yield
    }) : () -> ()
    %add3A_217 = arith.constant 160 : i32
    %add3A_218 = arith.addi %mul3A_212, %add3A_217 : i32
    "tpu.region"() ({
      %run_scoped3A_279 = tpu.sem_alloc : memref<!tpu.dma_semaphore, #tpu.memory_space<semaphore_mem>>
      %dma_start3A_280 = arith.constant 0 : i32
      %dma_start3A_281 = tpu.memref_slice %arg13[%add3A_218, %dma_start3A_280] : memref<5064x128xf32, #tpu.memory_space<vmem_shared>> -> memref<80x128xf32, #tpu.memory_space<vmem_shared>>
      tpu.enqueue_dma source(%arg5 : memref<80x128xf32, #tpu.memory_space<hbm>>) target(%dma_start3A_281 : memref<80x128xf32, #tpu.memory_space<vmem_shared>>) target_semaphore(%run_scoped3A_279 : memref<!tpu.dma_semaphore, #tpu.memory_space<semaphore_mem>>)
      %dma_wait3A_282 = arith.constant 0 : i32
      %dma_wait3A_283 = tpu.memref_slice %arg13[%add3A_218, %dma_wait3A_282] : memref<5064x128xf32, #tpu.memory_space<vmem_shared>> -> memref<80x128xf32, #tpu.memory_space<vmem_shared>>
      tpu.wait_dma2 semaphore(%run_scoped3A_279 : memref<!tpu.dma_semaphore, #tpu.memory_space<semaphore_mem>>) src(%arg5 : memref<80x128xf32, #tpu.memory_space<hbm>>) dst(%dma_wait3A_283 : memref<80x128xf32, #tpu.memory_space<vmem_shared>>)
      tpu.yield
    }) : () -> ()
    %add3A_219 = arith.constant 240 : i32
    %add3A_220 = arith.addi %mul3A_212, %add3A_219 : i32
    "tpu.region"() ({
      %run_scoped3A_279 = tpu.sem_alloc : memref<!tpu.dma_semaphore, #tpu.memory_space<semaphore_mem>>
      %dma_start3A_280 = arith.constant 0 : i32
      %dma_start3A_281 = tpu.memref_slice %arg13[%add3A_220, %dma_start3A_280] : memref<5064x128xf32, #tpu.memory_space<vmem_shared>> -> memref<72x128xf32, #tpu.memory_space<vmem_shared>>
      %dma_start3A_282 = arith.constant 0 : i32
      %dma_start3A_283 = arith.constant 0 : i32
      %dma_start3A_284 = tpu.memref_slice %arg5[%dma_start3A_282, %dma_start3A_283] : memref<80x128xf32, #tpu.memory_space<hbm>> -> memref<72x128xf32, #tpu.memory_space<hbm>>
      tpu.enqueue_dma source(%dma_start3A_284 : memref<72x128xf32, #tpu.memory_space<hbm>>) target(%dma_start3A_281 : memref<72x128xf32, #tpu.memory_space<vmem_shared>>) target_semaphore(%run_scoped3A_279 : memref<!tpu.dma_semaphore, #tpu.memory_space<semaphore_mem>>)
      %dma_wait3A_285 = arith.constant 0 : i32
      %dma_wait3A_286 = tpu.memref_slice %arg13[%add3A_220, %dma_wait3A_285] : memref<5064x128xf32, #tpu.memory_space<vmem_shared>> -> memref<72x128xf32, #tpu.memory_space<vmem_shared>>
      %dma_wait3A_287 = arith.constant 0 : i32
      %dma_wait3A_288 = arith.constant 0 : i32
      %dma_wait3A_289 = tpu.memref_slice %arg5[%dma_wait3A_287, %dma_wait3A_288] : memref<80x128xf32, #tpu.memory_space<hbm>> -> memref<72x128xf32, #tpu.memory_space<hbm>>
      tpu.wait_dma2 semaphore(%run_scoped3A_279 : memref<!tpu.dma_semaphore, #tpu.memory_space<semaphore_mem>>) src(%dma_wait3A_289 : memref<72x128xf32, #tpu.memory_space<hbm>>) dst(%dma_wait3A_286 : memref<72x128xf32, #tpu.memory_space<vmem_shared>>)
      tpu.yield
    }) : () -> ()
    %lt3A_221 = arith.constant 8 : i32
    %lt3A_222 = arith.cmpi slt, %arg1, %lt3A_221 : i32
    %convert_element_type3A_223 = arith.extui %lt3A_222 : i1 to i32
    %cond3A_224 = arith.constant 0 : i32
    %cond3A_225 = arith.cmpi ne, %convert_element_type3A_223, %cond3A_224 : i32
    scf.if %cond3A_225 {
      %mul3A_279 = arith.constant 8 : i32
      %mul3A_280 = arith.muli %arg1, %mul3A_279 : i32
      %add3A_281 = arith.constant 5000 : i32
      %add3A_282 = arith.addi %add3A_281, %mul3A_280 : i32
      "tpu.region"() ({
        %run_scoped3A_283 = tpu.sem_alloc : memref<!tpu.dma_semaphore, #tpu.memory_space<semaphore_mem>>
        %dma_start3A_284 = arith.constant 0 : i32
        %dma_start3A_285 = tpu.memref_slice %arg13[%add3A_282, %dma_start3A_284] : memref<5064x128xf32, #tpu.memory_space<vmem_shared>> -> memref<8x128xf32, #tpu.memory_space<vmem_shared>>
        %dma_start3A_286 = arith.constant 0 : i32
        %dma_start3A_287 = arith.constant 0 : i32
        %dma_start3A_288 = tpu.memref_slice %arg5[%dma_start3A_286, %dma_start3A_287] : memref<80x128xf32, #tpu.memory_space<hbm>> -> memref<8x128xf32, #tpu.memory_space<hbm>>
        tpu.enqueue_dma source(%dma_start3A_288 : memref<8x128xf32, #tpu.memory_space<hbm>>) target(%dma_start3A_285 : memref<8x128xf32, #tpu.memory_space<vmem_shared>>) target_semaphore(%run_scoped3A_283 : memref<!tpu.dma_semaphore, #tpu.memory_space<semaphore_mem>>)
        %dma_wait3A_289 = arith.constant 0 : i32
        %dma_wait3A_290 = tpu.memref_slice %arg13[%add3A_282, %dma_wait3A_289] : memref<5064x128xf32, #tpu.memory_space<vmem_shared>> -> memref<8x128xf32, #tpu.memory_space<vmem_shared>>
        %dma_wait3A_291 = arith.constant 0 : i32
        %dma_wait3A_292 = arith.constant 0 : i32
        %dma_wait3A_293 = tpu.memref_slice %arg5[%dma_wait3A_291, %dma_wait3A_292] : memref<80x128xf32, #tpu.memory_space<hbm>> -> memref<8x128xf32, #tpu.memory_space<hbm>>
        tpu.wait_dma2 semaphore(%run_scoped3A_283 : memref<!tpu.dma_semaphore, #tpu.memory_space<semaphore_mem>>) src(%dma_wait3A_293 : memref<8x128xf32, #tpu.memory_space<hbm>>) dst(%dma_wait3A_290 : memref<8x128xf32, #tpu.memory_space<vmem_shared>>)
        tpu.yield
      }) : () -> ()
    } else {
    }
    %eq3A_226 = arith.constant 0 : i32
    %eq3A_227 = arith.cmpi eq, %arg1, %eq3A_226 : i32
    %convert_element_type3A_228 = arith.extui %eq3A_227 : i1 to i32
    %cond3A_229 = arith.constant 0 : i32
    %cond3A_230 = arith.cmpi ne, %convert_element_type3A_228, %cond3A_229 : i32
    scf.if %cond3A_230 {
      "tpu.region"() ({
        %run_scoped3A_279 = tpu.sem_alloc : memref<!tpu.dma_semaphore, #tpu.memory_space<semaphore_mem>>
        %dma_start3A_280 = arith.constant 4992 : i32
        %dma_start3A_281 = arith.constant 0 : i32
        %dma_start3A_282 = tpu.memref_slice %arg13[%dma_start3A_280, %dma_start3A_281] : memref<5064x128xf32, #tpu.memory_space<vmem_shared>> -> memref<8x128xf32, #tpu.memory_space<vmem_shared>>
        %dma_start3A_283 = arith.constant 0 : i32
        %dma_start3A_284 = arith.constant 0 : i32
        %dma_start3A_285 = tpu.memref_slice %arg5[%dma_start3A_283, %dma_start3A_284] : memref<80x128xf32, #tpu.memory_space<hbm>> -> memref<8x128xf32, #tpu.memory_space<hbm>>
        tpu.enqueue_dma source(%dma_start3A_285 : memref<8x128xf32, #tpu.memory_space<hbm>>) target(%dma_start3A_282 : memref<8x128xf32, #tpu.memory_space<vmem_shared>>) target_semaphore(%run_scoped3A_279 : memref<!tpu.dma_semaphore, #tpu.memory_space<semaphore_mem>>)
        %dma_wait3A_286 = arith.constant 4992 : i32
        %dma_wait3A_287 = arith.constant 0 : i32
        %dma_wait3A_288 = tpu.memref_slice %arg13[%dma_wait3A_286, %dma_wait3A_287] : memref<5064x128xf32, #tpu.memory_space<vmem_shared>> -> memref<8x128xf32, #tpu.memory_space<vmem_shared>>
        %dma_wait3A_289 = arith.constant 0 : i32
        %dma_wait3A_290 = arith.constant 0 : i32
        %dma_wait3A_291 = tpu.memref_slice %arg5[%dma_wait3A_289, %dma_wait3A_290] : memref<80x128xf32, #tpu.memory_space<hbm>> -> memref<8x128xf32, #tpu.memory_space<hbm>>
        tpu.wait_dma2 semaphore(%run_scoped3A_279 : memref<!tpu.dma_semaphore, #tpu.memory_space<semaphore_mem>>) src(%dma_wait3A_291 : memref<8x128xf32, #tpu.memory_space<hbm>>) dst(%dma_wait3A_288 : memref<8x128xf32, #tpu.memory_space<vmem_shared>>)
        tpu.yield
      }) : () -> ()
    } else {
    }
    %barrier3A_231 = arith.constant 0 : index
    tpu.barrier barrier_id(%barrier3A_231)
    %scan3A_232 = arith.constant 0 : i32
    %scan3A_233 = arith.constant 0 : i32
    %scan3A_234 = arith.constant 31 : i32
    %scan3A_235 = arith.addi %scan3A_233, %scan3A_234 : i32
    %scan3A_236 = arith.constant 1 : i32
    scf.for %scan3A_279 = %scan3A_233 to %scan3A_235 step %scan3A_236  : i32 {
      %mul3A_280 = arith.constant 4 : i32
      %mul3A_281 = arith.muli %mul3A_280, %scan3A_279 : i32
      %add3A_282 = arith.constant 125 : i32
      %add3A_283 = arith.addi %add3A_282, %mul3A_281 : i32
      %add3A_284 = arith.constant 0 : i32
      %add3A_285 = arith.addi %add3A_283, %add3A_284 : i32
      %dma_wait3A_286 = arith.constant 0 : i32
      %dma_wait3A_287 = arith.constant 0 : i32
      %dma_wait3A_288 = tpu.memref_slice %arg7[%dma_wait3A_286, %dma_wait3A_287] : memref<125x80xi32, #tpu.memory_space<vmem>> -> memref<1x80xi32, #tpu.memory_space<vmem>>
      %dma_wait3A_289 = tpu.memref_squeeze %dma_wait3A_288 : memref<1x80xi32, #tpu.memory_space<vmem>> -> memref<80xi32, #tpu.memory_space<vmem>>
      %dma_wait3A_290 = arith.constant 0 : i32
      %dma_wait3A_291 = arith.constant 0 : i32
      %dma_wait3A_292 = tpu.memref_slice %arg2[%dma_wait3A_290, %dma_wait3A_291] : memref<10000x128xf32, #tpu.memory_space<hbm>> -> memref<10000x128xf32, #tpu.memory_space<hbm>>
      tpu.wait_indirect_dma semaphore(%arg15 : memref<!tpu.dma_semaphore, #tpu.memory_space<semaphore_mem>>) src(%dma_wait3A_292 : memref<10000x128xf32, #tpu.memory_space<hbm>>) dst(%arg10 : memref<80x128xf32, #tpu.memory_space<vmem>>)
      "tpu.region"() ({
        %run_scoped3A_480 = tpu.sem_alloc : memref<!tpu.dma_semaphore, #tpu.memory_space<semaphore_mem>>
        %dma_start3A_481 = arith.constant 0 : i32
        %dma_start3A_482 = tpu.memref_slice %arg8[%add3A_285, %dma_start3A_481] : memref<250x80xi32, #tpu.memory_space<vmem>> -> memref<1x80xi32, #tpu.memory_space<vmem>>
        %dma_start3A_483 = tpu.memref_squeeze %dma_start3A_482 : memref<1x80xi32, #tpu.memory_space<vmem>> -> memref<80xi32, #tpu.memory_space<vmem>>
        %dma_start3A_484 = arith.constant 0 : i32
        %dma_start3A_485 = arith.constant 0 : i32
        %dma_start3A_486 = tpu.memref_slice %arg13[%dma_start3A_484, %dma_start3A_485] : memref<5064x128xf32, #tpu.memory_space<vmem_shared>> -> memref<5064x128xf32, #tpu.memory_space<vmem_shared>>
        tpu.enqueue_indirect_dma source(%arg10 : memref<80x128xf32, #tpu.memory_space<vmem>>) target(%dma_start3A_486 : memref<5064x128xf32, #tpu.memory_space<vmem_shared>>) offsets(%dma_start3A_483 : memref<80xi32, #tpu.memory_space<vmem>>) semaphore(%run_scoped3A_480 : memref<!tpu.dma_semaphore, #tpu.memory_space<semaphore_mem>>) {add = true}
        %dma_wait3A_487 = arith.constant 0 : i32
        %dma_wait3A_488 = tpu.memref_slice %arg8[%add3A_285, %dma_wait3A_487] : memref<250x80xi32, #tpu.memory_space<vmem>> -> memref<1x80xi32, #tpu.memory_space<vmem>>
        %dma_wait3A_489 = tpu.memref_squeeze %dma_wait3A_488 : memref<1x80xi32, #tpu.memory_space<vmem>> -> memref<80xi32, #tpu.memory_space<vmem>>
        %dma_wait3A_490 = arith.constant 0 : i32
        %dma_wait3A_491 = arith.constant 0 : i32
        %dma_wait3A_492 = tpu.memref_slice %arg13[%dma_wait3A_490, %dma_wait3A_491] : memref<5064x128xf32, #tpu.memory_space<vmem_shared>> -> memref<5064x128xf32, #tpu.memory_space<vmem_shared>>
        tpu.wait_indirect_dma semaphore(%run_scoped3A_480 : memref<!tpu.dma_semaphore, #tpu.memory_space<semaphore_mem>>) src(%arg10 : memref<80x128xf32, #tpu.memory_space<vmem>>) dst(%dma_wait3A_492 : memref<5064x128xf32, #tpu.memory_space<vmem_shared>>)
        tpu.yield
      }) : () -> ()
      %add3A_293 = arith.constant 4 : i32
      %add3A_294 = arith.addi %add3A_285, %add3A_293 : i32
      %min3A_295 = arith.constant 249 : i32
      %min3A_296 = arith.minsi %add3A_294, %min3A_295 : i32
      %jit3A_297 = arith.constant 125 : i32
      %div3A_298 = arith.divsi %min3A_296, %jit3A_297 : i32
      %sign3A_299 = arith.constant 0 : i32
      %sign3A_300 = arith.cmpi sgt, %min3A_296, %sign3A_299 : i32
      %sign3A_301 = arith.extui %sign3A_300 : i1 to i32
      %sign3A_302 = arith.constant 0 : i32
      %sign3A_303 = arith.cmpi slt, %min3A_296, %sign3A_302 : i32
      %sign3A_304 = arith.extui %sign3A_303 : i1 to i32
      %sign3A_305 = arith.subi %sign3A_301, %sign3A_304 : i32
      %sign3A_306 = arith.constant 0 : i32
      %sign3A_307 = arith.cmpi sgt, %jit3A_297, %sign3A_306 : i32
      %sign3A_308 = arith.extui %sign3A_307 : i1 to i32
      %sign3A_309 = arith.constant 0 : i32
      %sign3A_310 = arith.cmpi slt, %jit3A_297, %sign3A_309 : i32
      %sign3A_311 = arith.extui %sign3A_310 : i1 to i32
      %sign3A_312 = arith.subi %sign3A_308, %sign3A_311 : i32
      %ne3A_313 = arith.cmpi ne, %sign3A_305, %sign3A_312 : i32
      %rem3A_314 = arith.remsi %min3A_296, %jit3A_297 : i32
      %ne3A_315 = arith.constant 0 : i32
      %ne3A_316 = arith.cmpi ne, %rem3A_314, %ne3A_315 : i32
      %and3A_317 = arith.andi %ne3A_313, %ne3A_316 : i1
      %sub3A_318 = arith.constant 1 : i32
      %sub3A_319 = arith.subi %div3A_298, %sub3A_318 : i32
      %select_n3A_320 = arith.select %and3A_317, %sub3A_319, %div3A_298 : i32
      %mul3A_321 = arith.constant 125 : i32
      %mul3A_322 = arith.muli %mul3A_321, %select_n3A_320 : i32
      %sub3A_323 = arith.subi %min3A_296, %mul3A_322 : i32
      %dma_start3A_324 = arith.constant 0 : i32
      %dma_start3A_325 = tpu.memref_slice %arg7[%sub3A_323, %dma_start3A_324] : memref<125x80xi32, #tpu.memory_space<vmem>> -> memref<1x80xi32, #tpu.memory_space<vmem>>
      %dma_start3A_326 = tpu.memref_squeeze %dma_start3A_325 : memref<1x80xi32, #tpu.memory_space<vmem>> -> memref<80xi32, #tpu.memory_space<vmem>>
      %dma_start3A_327 = arith.constant 0 : i32
      %dma_start3A_328 = arith.constant 0 : i32
      %dma_start3A_329 = tpu.memref_slice %arg2[%dma_start3A_327, %dma_start3A_328] : memref<10000x128xf32, #tpu.memory_space<hbm>> -> memref<10000x128xf32, #tpu.memory_space<hbm>>
      tpu.enqueue_indirect_dma source(%dma_start3A_329 : memref<10000x128xf32, #tpu.memory_space<hbm>>) target(%arg10 : memref<80x128xf32, #tpu.memory_space<vmem>>) offsets(%dma_start3A_326 : memref<80xi32, #tpu.memory_space<vmem>>) semaphore(%arg15 : memref<!tpu.dma_semaphore, #tpu.memory_space<semaphore_mem>>)
      %mul3A_330 = arith.constant 4 : i32
      %mul3A_331 = arith.muli %mul3A_330, %scan3A_279 : i32
      %add3A_332 = arith.constant 125 : i32
      %add3A_333 = arith.addi %add3A_332, %mul3A_331 : i32
      %add3A_334 = arith.constant 1 : i32
      %add3A_335 = arith.addi %add3A_333, %add3A_334 : i32
      %dma_wait3A_336 = arith.constant 0 : i32
      %dma_wait3A_337 = arith.constant 0 : i32
      %dma_wait3A_338 = tpu.memref_slice %arg7[%dma_wait3A_336, %dma_wait3A_337] : memref<125x80xi32, #tpu.memory_space<vmem>> -> memref<1x80xi32, #tpu.memory_space<vmem>>
      %dma_wait3A_339 = tpu.memref_squeeze %dma_wait3A_338 : memref<1x80xi32, #tpu.memory_space<vmem>> -> memref<80xi32, #tpu.memory_space<vmem>>
      %dma_wait3A_340 = arith.constant 0 : i32
      %dma_wait3A_341 = arith.constant 0 : i32
      %dma_wait3A_342 = tpu.memref_slice %arg2[%dma_wait3A_340, %dma_wait3A_341] : memref<10000x128xf32, #tpu.memory_space<hbm>> -> memref<10000x128xf32, #tpu.memory_space<hbm>>
      tpu.wait_indirect_dma semaphore(%arg16 : memref<!tpu.dma_semaphore, #tpu.memory_space<semaphore_mem>>) src(%dma_wait3A_342 : memref<10000x128xf32, #tpu.memory_space<hbm>>) dst(%arg11 : memref<80x128xf32, #tpu.memory_space<vmem>>)
      "tpu.region"() ({
        %run_scoped3A_480 = tpu.sem_alloc : memref<!tpu.dma_semaphore, #tpu.memory_space<semaphore_mem>>
        %dma_start3A_481 = arith.constant 0 : i32
        %dma_start3A_482 = tpu.memref_slice %arg8[%add3A_335, %dma_start3A_481] : memref<250x80xi32, #tpu.memory_space<vmem>> -> memref<1x80xi32, #tpu.memory_space<vmem>>
        %dma_start3A_483 = tpu.memref_squeeze %dma_start3A_482 : memref<1x80xi32, #tpu.memory_space<vmem>> -> memref<80xi32, #tpu.memory_space<vmem>>
        %dma_start3A_484 = arith.constant 0 : i32
        %dma_start3A_485 = arith.constant 0 : i32
        %dma_start3A_486 = tpu.memref_slice %arg13[%dma_start3A_484, %dma_start3A_485] : memref<5064x128xf32, #tpu.memory_space<vmem_shared>> -> memref<5064x128xf32, #tpu.memory_space<vmem_shared>>
        tpu.enqueue_indirect_dma source(%arg11 : memref<80x128xf32, #tpu.memory_space<vmem>>) target(%dma_start3A_486 : memref<5064x128xf32, #tpu.memory_space<vmem_shared>>) offsets(%dma_start3A_483 : memref<80xi32, #tpu.memory_space<vmem>>) semaphore(%run_scoped3A_480 : memref<!tpu.dma_semaphore, #tpu.memory_space<semaphore_mem>>) {add = true}
        %dma_wait3A_487 = arith.constant 0 : i32
        %dma_wait3A_488 = tpu.memref_slice %arg8[%add3A_335, %dma_wait3A_487] : memref<250x80xi32, #tpu.memory_space<vmem>> -> memref<1x80xi32, #tpu.memory_space<vmem>>
        %dma_wait3A_489 = tpu.memref_squeeze %dma_wait3A_488 : memref<1x80xi32, #tpu.memory_space<vmem>> -> memref<80xi32, #tpu.memory_space<vmem>>
        %dma_wait3A_490 = arith.constant 0 : i32
        %dma_wait3A_491 = arith.constant 0 : i32
        %dma_wait3A_492 = tpu.memref_slice %arg13[%dma_wait3A_490, %dma_wait3A_491] : memref<5064x128xf32, #tpu.memory_space<vmem_shared>> -> memref<5064x128xf32, #tpu.memory_space<vmem_shared>>
        tpu.wait_indirect_dma semaphore(%run_scoped3A_480 : memref<!tpu.dma_semaphore, #tpu.memory_space<semaphore_mem>>) src(%arg11 : memref<80x128xf32, #tpu.memory_space<vmem>>) dst(%dma_wait3A_492 : memref<5064x128xf32, #tpu.memory_space<vmem_shared>>)
        tpu.yield
      }) : () -> ()
      %add3A_343 = arith.constant 4 : i32
      %add3A_344 = arith.addi %add3A_335, %add3A_343 : i32
      %min3A_345 = arith.constant 249 : i32
      %min3A_346 = arith.minsi %add3A_344, %min3A_345 : i32
      %jit3A_347 = arith.constant 125 : i32
      %div3A_348 = arith.divsi %min3A_346, %jit3A_347 : i32
      %sign3A_349 = arith.constant 0 : i32
      %sign3A_350 = arith.cmpi sgt, %min3A_346, %sign3A_349 : i32
      %sign3A_351 = arith.extui %sign3A_350 : i1 to i32
      %sign3A_352 = arith.constant 0 : i32
      %sign3A_353 = arith.cmpi slt, %min3A_346, %sign3A_352 : i32
      %sign3A_354 = arith.extui %sign3A_353 : i1 to i32
      %sign3A_355 = arith.subi %sign3A_351, %sign3A_354 : i32
      %sign3A_356 = arith.constant 0 : i32
      %sign3A_357 = arith.cmpi sgt, %jit3A_347, %sign3A_356 : i32
      %sign3A_358 = arith.extui %sign3A_357 : i1 to i32
      %sign3A_359 = arith.constant 0 : i32
      %sign3A_360 = arith.cmpi slt, %jit3A_347, %sign3A_359 : i32
      %sign3A_361 = arith.extui %sign3A_360 : i1 to i32
      %sign3A_362 = arith.subi %sign3A_358, %sign3A_361 : i32
      %ne3A_363 = arith.cmpi ne, %sign3A_355, %sign3A_362 : i32
      %rem3A_364 = arith.remsi %min3A_346, %jit3A_347 : i32
      %ne3A_365 = arith.constant 0 : i32
      %ne3A_366 = arith.cmpi ne, %rem3A_364, %ne3A_365 : i32
      %and3A_367 = arith.andi %ne3A_363, %ne3A_366 : i1
      %sub3A_368 = arith.constant 1 : i32
      %sub3A_369 = arith.subi %div3A_348, %sub3A_368 : i32
      %select_n3A_370 = arith.select %and3A_367, %sub3A_369, %div3A_348 : i32
      %mul3A_371 = arith.constant 125 : i32
      %mul3A_372 = arith.muli %mul3A_371, %select_n3A_370 : i32
      %sub3A_373 = arith.subi %min3A_346, %mul3A_372 : i32
      %dma_start3A_374 = arith.constant 0 : i32
      %dma_start3A_375 = tpu.memref_slice %arg7[%sub3A_373, %dma_start3A_374] : memref<125x80xi32, #tpu.memory_space<vmem>> -> memref<1x80xi32, #tpu.memory_space<vmem>>
      %dma_start3A_376 = tpu.memref_squeeze %dma_start3A_375 : memref<1x80xi32, #tpu.memory_space<vmem>> -> memref<80xi32, #tpu.memory_space<vmem>>
      %dma_start3A_377 = arith.constant 0 : i32
      %dma_start3A_378 = arith.constant 0 : i32
      %dma_start3A_379 = tpu.memref_slice %arg2[%dma_start3A_377, %dma_start3A_378] : memref<10000x128xf32, #tpu.memory_space<hbm>> -> memref<10000x128xf32, #tpu.memory_space<hbm>>
      tpu.enqueue_indirect_dma source(%dma_start3A_379 : memref<10000x128xf32, #tpu.memory_space<hbm>>) target(%arg11 : memref<80x128xf32, #tpu.memory_space<vmem>>) offsets(%dma_start3A_376 : memref<80xi32, #tpu.memory_space<vmem>>) semaphore(%arg16 : memref<!tpu.dma_semaphore, #tpu.memory_space<semaphore_mem>>)
      %mul3A_380 = arith.constant 4 : i32
      %mul3A_381 = arith.muli %mul3A_380, %scan3A_279 : i32
      %add3A_382 = arith.constant 125 : i32
      %add3A_383 = arith.addi %add3A_382, %mul3A_381 : i32
      %add3A_384 = arith.constant 2 : i32
      %add3A_385 = arith.addi %add3A_383, %add3A_384 : i32
      %dma_wait3A_386 = arith.constant 0 : i32
      %dma_wait3A_387 = arith.constant 0 : i32
      %dma_wait3A_388 = tpu.memref_slice %arg7[%dma_wait3A_386, %dma_wait3A_387] : memref<125x80xi32, #tpu.memory_space<vmem>> -> memref<1x80xi32, #tpu.memory_space<vmem>>
      %dma_wait3A_389 = tpu.memref_squeeze %dma_wait3A_388 : memref<1x80xi32, #tpu.memory_space<vmem>> -> memref<80xi32, #tpu.memory_space<vmem>>
      %dma_wait3A_390 = arith.constant 0 : i32
      %dma_wait3A_391 = arith.constant 0 : i32
      %dma_wait3A_392 = tpu.memref_slice %arg2[%dma_wait3A_390, %dma_wait3A_391] : memref<10000x128xf32, #tpu.memory_space<hbm>> -> memref<10000x128xf32, #tpu.memory_space<hbm>>
      tpu.wait_indirect_dma semaphore(%arg17 : memref<!tpu.dma_semaphore, #tpu.memory_space<semaphore_mem>>) src(%dma_wait3A_392 : memref<10000x128xf32, #tpu.memory_space<hbm>>) dst(%arg12 : memref<80x128xf32, #tpu.memory_space<vmem>>)
      "tpu.region"() ({
        %run_scoped3A_480 = tpu.sem_alloc : memref<!tpu.dma_semaphore, #tpu.memory_space<semaphore_mem>>
        %dma_start3A_481 = arith.constant 0 : i32
        %dma_start3A_482 = tpu.memref_slice %arg8[%add3A_385, %dma_start3A_481] : memref<250x80xi32, #tpu.memory_space<vmem>> -> memref<1x80xi32, #tpu.memory_space<vmem>>
        %dma_start3A_483 = tpu.memref_squeeze %dma_start3A_482 : memref<1x80xi32, #tpu.memory_space<vmem>> -> memref<80xi32, #tpu.memory_space<vmem>>
        %dma_start3A_484 = arith.constant 0 : i32
        %dma_start3A_485 = arith.constant 0 : i32
        %dma_start3A_486 = tpu.memref_slice %arg13[%dma_start3A_484, %dma_start3A_485] : memref<5064x128xf32, #tpu.memory_space<vmem_shared>> -> memref<5064x128xf32, #tpu.memory_space<vmem_shared>>
        tpu.enqueue_indirect_dma source(%arg12 : memref<80x128xf32, #tpu.memory_space<vmem>>) target(%dma_start3A_486 : memref<5064x128xf32, #tpu.memory_space<vmem_shared>>) offsets(%dma_start3A_483 : memref<80xi32, #tpu.memory_space<vmem>>) semaphore(%run_scoped3A_480 : memref<!tpu.dma_semaphore, #tpu.memory_space<semaphore_mem>>) {add = true}
        %dma_wait3A_487 = arith.constant 0 : i32
        %dma_wait3A_488 = tpu.memref_slice %arg8[%add3A_385, %dma_wait3A_487] : memref<250x80xi32, #tpu.memory_space<vmem>> -> memref<1x80xi32, #tpu.memory_space<vmem>>
        %dma_wait3A_489 = tpu.memref_squeeze %dma_wait3A_488 : memref<1x80xi32, #tpu.memory_space<vmem>> -> memref<80xi32, #tpu.memory_space<vmem>>
        %dma_wait3A_490 = arith.constant 0 : i32
        %dma_wait3A_491 = arith.constant 0 : i32
        %dma_wait3A_492 = tpu.memref_slice %arg13[%dma_wait3A_490, %dma_wait3A_491] : memref<5064x128xf32, #tpu.memory_space<vmem_shared>> -> memref<5064x128xf32, #tpu.memory_space<vmem_shared>>
        tpu.wait_indirect_dma semaphore(%run_scoped3A_480 : memref<!tpu.dma_semaphore, #tpu.memory_space<semaphore_mem>>) src(%arg12 : memref<80x128xf32, #tpu.memory_space<vmem>>) dst(%dma_wait3A_492 : memref<5064x128xf32, #tpu.memory_space<vmem_shared>>)
        tpu.yield
      }) : () -> ()
      %add3A_393 = arith.constant 4 : i32
      %add3A_394 = arith.addi %add3A_385, %add3A_393 : i32
      %min3A_395 = arith.constant 249 : i32
      %min3A_396 = arith.minsi %add3A_394, %min3A_395 : i32
      %jit3A_397 = arith.constant 125 : i32
      %div3A_398 = arith.divsi %min3A_396, %jit3A_397 : i32
      %sign3A_399 = arith.constant 0 : i32
      %sign3A_400 = arith.cmpi sgt, %min3A_396, %sign3A_399 : i32
      %sign3A_401 = arith.extui %sign3A_400 : i1 to i32
      %sign3A_402 = arith.constant 0 : i32
      %sign3A_403 = arith.cmpi slt, %min3A_396, %sign3A_402 : i32
      %sign3A_404 = arith.extui %sign3A_403 : i1 to i32
      %sign3A_405 = arith.subi %sign3A_401, %sign3A_404 : i32
      %sign3A_406 = arith.constant 0 : i32
      %sign3A_407 = arith.cmpi sgt, %jit3A_397, %sign3A_406 : i32
      %sign3A_408 = arith.extui %sign3A_407 : i1 to i32
      %sign3A_409 = arith.constant 0 : i32
      %sign3A_410 = arith.cmpi slt, %jit3A_397, %sign3A_409 : i32
      %sign3A_411 = arith.extui %sign3A_410 : i1 to i32
      %sign3A_412 = arith.subi %sign3A_408, %sign3A_411 : i32
      %ne3A_413 = arith.cmpi ne, %sign3A_405, %sign3A_412 : i32
      %rem3A_414 = arith.remsi %min3A_396, %jit3A_397 : i32
      %ne3A_415 = arith.constant 0 : i32
      %ne3A_416 = arith.cmpi ne, %rem3A_414, %ne3A_415 : i32
      %and3A_417 = arith.andi %ne3A_413, %ne3A_416 : i1
      %sub3A_418 = arith.constant 1 : i32
      %sub3A_419 = arith.subi %div3A_398, %sub3A_418 : i32
      %select_n3A_420 = arith.select %and3A_417, %sub3A_419, %div3A_398 : i32
      %mul3A_421 = arith.constant 125 : i32
      %mul3A_422 = arith.muli %mul3A_421, %select_n3A_420 : i32
      %sub3A_423 = arith.subi %min3A_396, %mul3A_422 : i32
      %dma_start3A_424 = arith.constant 0 : i32
      %dma_start3A_425 = tpu.memref_slice %arg7[%sub3A_423, %dma_start3A_424] : memref<125x80xi32, #tpu.memory_space<vmem>> -> memref<1x80xi32, #tpu.memory_space<vmem>>
      %dma_start3A_426 = tpu.memref_squeeze %dma_start3A_425 : memref<1x80xi32, #tpu.memory_space<vmem>> -> memref<80xi32, #tpu.memory_space<vmem>>
      %dma_start3A_427 = arith.constant 0 : i32
      %dma_start3A_428 = arith.constant 0 : i32
      %dma_start3A_429 = tpu.memref_slice %arg2[%dma_start3A_427, %dma_start3A_428] : memref<10000x128xf32, #tpu.memory_space<hbm>> -> memref<10000x128xf32, #tpu.memory_space<hbm>>
      tpu.enqueue_indirect_dma source(%dma_start3A_429 : memref<10000x128xf32, #tpu.memory_space<hbm>>) target(%arg12 : memref<80x128xf32, #tpu.memory_space<vmem>>) offsets(%dma_start3A_426 : memref<80xi32, #tpu.memory_space<vmem>>) semaphore(%arg17 : memref<!tpu.dma_semaphore, #tpu.memory_space<semaphore_mem>>)
      %mul3A_430 = arith.constant 4 : i32
      %mul3A_431 = arith.muli %mul3A_430, %scan3A_279 : i32
      %add3A_432 = arith.constant 125 : i32
      %add3A_433 = arith.addi %add3A_432, %mul3A_431 : i32
      %add3A_434 = arith.constant 3 : i32
      %add3A_435 = arith.addi %add3A_433, %add3A_434 : i32
      %dma_wait3A_436 = arith.constant 0 : i32
      %dma_wait3A_437 = arith.constant 0 : i32
      %dma_wait3A_438 = tpu.memref_slice %arg7[%dma_wait3A_436, %dma_wait3A_437] : memref<125x80xi32, #tpu.memory_space<vmem>> -> memref<1x80xi32, #tpu.memory_space<vmem>>
      %dma_wait3A_439 = tpu.memref_squeeze %dma_wait3A_438 : memref<1x80xi32, #tpu.memory_space<vmem>> -> memref<80xi32, #tpu.memory_space<vmem>>
      %dma_wait3A_440 = arith.constant 0 : i32
      %dma_wait3A_441 = arith.constant 0 : i32
      %dma_wait3A_442 = tpu.memref_slice %arg2[%dma_wait3A_440, %dma_wait3A_441] : memref<10000x128xf32, #tpu.memory_space<hbm>> -> memref<10000x128xf32, #tpu.memory_space<hbm>>
      tpu.wait_indirect_dma semaphore(%arg14 : memref<!tpu.dma_semaphore, #tpu.memory_space<semaphore_mem>>) src(%dma_wait3A_442 : memref<10000x128xf32, #tpu.memory_space<hbm>>) dst(%arg9 : memref<80x128xf32, #tpu.memory_space<vmem>>)
      "tpu.region"() ({
        %run_scoped3A_480 = tpu.sem_alloc : memref<!tpu.dma_semaphore, #tpu.memory_space<semaphore_mem>>
        %dma_start3A_481 = arith.constant 0 : i32
        %dma_start3A_482 = tpu.memref_slice %arg8[%add3A_435, %dma_start3A_481] : memref<250x80xi32, #tpu.memory_space<vmem>> -> memref<1x80xi32, #tpu.memory_space<vmem>>
        %dma_start3A_483 = tpu.memref_squeeze %dma_start3A_482 : memref<1x80xi32, #tpu.memory_space<vmem>> -> memref<80xi32, #tpu.memory_space<vmem>>
        %dma_start3A_484 = arith.constant 0 : i32
        %dma_start3A_485 = arith.constant 0 : i32
        %dma_start3A_486 = tpu.memref_slice %arg13[%dma_start3A_484, %dma_start3A_485] : memref<5064x128xf32, #tpu.memory_space<vmem_shared>> -> memref<5064x128xf32, #tpu.memory_space<vmem_shared>>
        tpu.enqueue_indirect_dma source(%arg9 : memref<80x128xf32, #tpu.memory_space<vmem>>) target(%dma_start3A_486 : memref<5064x128xf32, #tpu.memory_space<vmem_shared>>) offsets(%dma_start3A_483 : memref<80xi32, #tpu.memory_space<vmem>>) semaphore(%run_scoped3A_480 : memref<!tpu.dma_semaphore, #tpu.memory_space<semaphore_mem>>) {add = true}
        %dma_wait3A_487 = arith.constant 0 : i32
        %dma_wait3A_488 = tpu.memref_slice %arg8[%add3A_435, %dma_wait3A_487] : memref<250x80xi32, #tpu.memory_space<vmem>> -> memref<1x80xi32, #tpu.memory_space<vmem>>
        %dma_wait3A_489 = tpu.memref_squeeze %dma_wait3A_488 : memref<1x80xi32, #tpu.memory_space<vmem>> -> memref<80xi32, #tpu.memory_space<vmem>>
        %dma_wait3A_490 = arith.constant 0 : i32
        %dma_wait3A_491 = arith.constant 0 : i32
        %dma_wait3A_492 = tpu.memref_slice %arg13[%dma_wait3A_490, %dma_wait3A_491] : memref<5064x128xf32, #tpu.memory_space<vmem_shared>> -> memref<5064x128xf32, #tpu.memory_space<vmem_shared>>
        tpu.wait_indirect_dma semaphore(%run_scoped3A_480 : memref<!tpu.dma_semaphore, #tpu.memory_space<semaphore_mem>>) src(%arg9 : memref<80x128xf32, #tpu.memory_space<vmem>>) dst(%dma_wait3A_492 : memref<5064x128xf32, #tpu.memory_space<vmem_shared>>)
        tpu.yield
      }) : () -> ()
      %add3A_443 = arith.constant 4 : i32
      %add3A_444 = arith.addi %add3A_435, %add3A_443 : i32
      %min3A_445 = arith.constant 249 : i32
      %min3A_446 = arith.minsi %add3A_444, %min3A_445 : i32
      %jit3A_447 = arith.constant 125 : i32
      %div3A_448 = arith.divsi %min3A_446, %jit3A_447 : i32
      %sign3A_449 = arith.constant 0 : i32
      %sign3A_450 = arith.cmpi sgt, %min3A_446, %sign3A_449 : i32
      %sign3A_451 = arith.extui %sign3A_450 : i1 to i32
      %sign3A_452 = arith.constant 0 : i32
      %sign3A_453 = arith.cmpi slt, %min3A_446, %sign3A_452 : i32
      %sign3A_454 = arith.extui %sign3A_453 : i1 to i32
      %sign3A_455 = arith.subi %sign3A_451, %sign3A_454 : i32
      %sign3A_456 = arith.constant 0 : i32
      %sign3A_457 = arith.cmpi sgt, %jit3A_447, %sign3A_456 : i32
      %sign3A_458 = arith.extui %sign3A_457 : i1 to i32
      %sign3A_459 = arith.constant 0 : i32
      %sign3A_460 = arith.cmpi slt, %jit3A_447, %sign3A_459 : i32
      %sign3A_461 = arith.extui %sign3A_460 : i1 to i32
      %sign3A_462 = arith.subi %sign3A_458, %sign3A_461 : i32
      %ne3A_463 = arith.cmpi ne, %sign3A_455, %sign3A_462 : i32
      %rem3A_464 = arith.remsi %min3A_446, %jit3A_447 : i32
      %ne3A_465 = arith.constant 0 : i32
      %ne3A_466 = arith.cmpi ne, %rem3A_464, %ne3A_465 : i32
      %and3A_467 = arith.andi %ne3A_463, %ne3A_466 : i1
      %sub3A_468 = arith.constant 1 : i32
      %sub3A_469 = arith.subi %div3A_448, %sub3A_468 : i32
      %select_n3A_470 = arith.select %and3A_467, %sub3A_469, %div3A_448 : i32
      %mul3A_471 = arith.constant 125 : i32
      %mul3A_472 = arith.muli %mul3A_471, %select_n3A_470 : i32
      %sub3A_473 = arith.subi %min3A_446, %mul3A_472 : i32
      %dma_start3A_474 = arith.constant 0 : i32
      %dma_start3A_475 = tpu.memref_slice %arg7[%sub3A_473, %dma_start3A_474] : memref<125x80xi32, #tpu.memory_space<vmem>> -> memref<1x80xi32, #tpu.memory_space<vmem>>
      %dma_start3A_476 = tpu.memref_squeeze %dma_start3A_475 : memref<1x80xi32, #tpu.memory_space<vmem>> -> memref<80xi32, #tpu.memory_space<vmem>>
      %dma_start3A_477 = arith.constant 0 : i32
      %dma_start3A_478 = arith.constant 0 : i32
      %dma_start3A_479 = tpu.memref_slice %arg2[%dma_start3A_477, %dma_start3A_478] : memref<10000x128xf32, #tpu.memory_space<hbm>> -> memref<10000x128xf32, #tpu.memory_space<hbm>>
      tpu.enqueue_indirect_dma source(%dma_start3A_479 : memref<10000x128xf32, #tpu.memory_space<hbm>>) target(%arg9 : memref<80x128xf32, #tpu.memory_space<vmem>>) offsets(%dma_start3A_476 : memref<80xi32, #tpu.memory_space<vmem>>) semaphore(%arg14 : memref<!tpu.dma_semaphore, #tpu.memory_space<semaphore_mem>>)
    }
    %scan3A_237 = arith.constant 31 : i32
    %dma_wait3A_238 = arith.constant 0 : i32
    %dma_wait3A_239 = arith.constant 0 : i32
    %dma_wait3A_240 = tpu.memref_slice %arg7[%dma_wait3A_238, %dma_wait3A_239] : memref<125x80xi32, #tpu.memory_space<vmem>> -> memref<1x80xi32, #tpu.memory_space<vmem>>
    %dma_wait3A_241 = tpu.memref_squeeze %dma_wait3A_240 : memref<1x80xi32, #tpu.memory_space<vmem>> -> memref<80xi32, #tpu.memory_space<vmem>>
    %dma_wait3A_242 = arith.constant 0 : i32
    %dma_wait3A_243 = arith.constant 0 : i32
    %dma_wait3A_244 = tpu.memref_slice %arg2[%dma_wait3A_242, %dma_wait3A_243] : memref<10000x128xf32, #tpu.memory_space<hbm>> -> memref<10000x128xf32, #tpu.memory_space<hbm>>
    tpu.wait_indirect_dma semaphore(%arg15 : memref<!tpu.dma_semaphore, #tpu.memory_space<semaphore_mem>>) src(%dma_wait3A_244 : memref<10000x128xf32, #tpu.memory_space<hbm>>) dst(%arg10 : memref<80x128xf32, #tpu.memory_space<vmem>>)
    %run_scoped3A_245 = arith.constant 249 : i32
    "tpu.region"() ({
      %run_scoped3A_279 = tpu.sem_alloc : memref<!tpu.dma_semaphore, #tpu.memory_space<semaphore_mem>>
      %dma_start3A_280 = arith.constant 0 : i32
      %dma_start3A_281 = tpu.memref_slice %arg8[%run_scoped3A_245, %dma_start3A_280] : memref<250x80xi32, #tpu.memory_space<vmem>> -> memref<1x80xi32, #tpu.memory_space<vmem>>
      %dma_start3A_282 = tpu.memref_squeeze %dma_start3A_281 : memref<1x80xi32, #tpu.memory_space<vmem>> -> memref<80xi32, #tpu.memory_space<vmem>>
      %dma_start3A_283 = arith.constant 0 : i32
      %dma_start3A_284 = arith.constant 0 : i32
      %dma_start3A_285 = tpu.memref_slice %arg13[%dma_start3A_283, %dma_start3A_284] : memref<5064x128xf32, #tpu.memory_space<vmem_shared>> -> memref<5064x128xf32, #tpu.memory_space<vmem_shared>>
      tpu.enqueue_indirect_dma source(%arg10 : memref<80x128xf32, #tpu.memory_space<vmem>>) target(%dma_start3A_285 : memref<5064x128xf32, #tpu.memory_space<vmem_shared>>) offsets(%dma_start3A_282 : memref<80xi32, #tpu.memory_space<vmem>>) semaphore(%run_scoped3A_279 : memref<!tpu.dma_semaphore, #tpu.memory_space<semaphore_mem>>) {add = true}
      %dma_wait3A_286 = arith.constant 0 : i32
      %dma_wait3A_287 = tpu.memref_slice %arg8[%run_scoped3A_245, %dma_wait3A_286] : memref<250x80xi32, #tpu.memory_space<vmem>> -> memref<1x80xi32, #tpu.memory_space<vmem>>
      %dma_wait3A_288 = tpu.memref_squeeze %dma_wait3A_287 : memref<1x80xi32, #tpu.memory_space<vmem>> -> memref<80xi32, #tpu.memory_space<vmem>>
      %dma_wait3A_289 = arith.constant 0 : i32
      %dma_wait3A_290 = arith.constant 0 : i32
      %dma_wait3A_291 = tpu.memref_slice %arg13[%dma_wait3A_289, %dma_wait3A_290] : memref<5064x128xf32, #tpu.memory_space<vmem_shared>> -> memref<5064x128xf32, #tpu.memory_space<vmem_shared>>
      tpu.wait_indirect_dma semaphore(%run_scoped3A_279 : memref<!tpu.dma_semaphore, #tpu.memory_space<semaphore_mem>>) src(%arg10 : memref<80x128xf32, #tpu.memory_space<vmem>>) dst(%dma_wait3A_291 : memref<5064x128xf32, #tpu.memory_space<vmem_shared>>)
      tpu.yield
    }) : () -> ()
    %dma_wait3A_246 = arith.constant 0 : i32
    %dma_wait3A_247 = arith.constant 0 : i32
    %dma_wait3A_248 = tpu.memref_slice %arg7[%dma_wait3A_246, %dma_wait3A_247] : memref<125x80xi32, #tpu.memory_space<vmem>> -> memref<1x80xi32, #tpu.memory_space<vmem>>
    %dma_wait3A_249 = tpu.memref_squeeze %dma_wait3A_248 : memref<1x80xi32, #tpu.memory_space<vmem>> -> memref<80xi32, #tpu.memory_space<vmem>>
    %dma_wait3A_250 = arith.constant 0 : i32
    %dma_wait3A_251 = arith.constant 0 : i32
    %dma_wait3A_252 = tpu.memref_slice %arg2[%dma_wait3A_250, %dma_wait3A_251] : memref<10000x128xf32, #tpu.memory_space<hbm>> -> memref<10000x128xf32, #tpu.memory_space<hbm>>
    tpu.wait_indirect_dma semaphore(%arg14 : memref<!tpu.dma_semaphore, #tpu.memory_space<semaphore_mem>>) src(%dma_wait3A_252 : memref<10000x128xf32, #tpu.memory_space<hbm>>) dst(%arg9 : memref<80x128xf32, #tpu.memory_space<vmem>>)
    %dma_wait3A_253 = arith.constant 0 : i32
    %dma_wait3A_254 = arith.constant 0 : i32
    %dma_wait3A_255 = tpu.memref_slice %arg7[%dma_wait3A_253, %dma_wait3A_254] : memref<125x80xi32, #tpu.memory_space<vmem>> -> memref<1x80xi32, #tpu.memory_space<vmem>>
    %dma_wait3A_256 = tpu.memref_squeeze %dma_wait3A_255 : memref<1x80xi32, #tpu.memory_space<vmem>> -> memref<80xi32, #tpu.memory_space<vmem>>
    %dma_wait3A_257 = arith.constant 0 : i32
    %dma_wait3A_258 = arith.constant 0 : i32
    %dma_wait3A_259 = tpu.memref_slice %arg2[%dma_wait3A_257, %dma_wait3A_258] : memref<10000x128xf32, #tpu.memory_space<hbm>> -> memref<10000x128xf32, #tpu.memory_space<hbm>>
    tpu.wait_indirect_dma semaphore(%arg16 : memref<!tpu.dma_semaphore, #tpu.memory_space<semaphore_mem>>) src(%dma_wait3A_259 : memref<10000x128xf32, #tpu.memory_space<hbm>>) dst(%arg11 : memref<80x128xf32, #tpu.memory_space<vmem>>)
    %dma_wait3A_260 = arith.constant 0 : i32
    %dma_wait3A_261 = arith.constant 0 : i32
    %dma_wait3A_262 = tpu.memref_slice %arg7[%dma_wait3A_260, %dma_wait3A_261] : memref<125x80xi32, #tpu.memory_space<vmem>> -> memref<1x80xi32, #tpu.memory_space<vmem>>
    %dma_wait3A_263 = tpu.memref_squeeze %dma_wait3A_262 : memref<1x80xi32, #tpu.memory_space<vmem>> -> memref<80xi32, #tpu.memory_space<vmem>>
    %dma_wait3A_264 = arith.constant 0 : i32
    %dma_wait3A_265 = arith.constant 0 : i32
    %dma_wait3A_266 = tpu.memref_slice %arg2[%dma_wait3A_264, %dma_wait3A_265] : memref<10000x128xf32, #tpu.memory_space<hbm>> -> memref<10000x128xf32, #tpu.memory_space<hbm>>
    tpu.wait_indirect_dma semaphore(%arg17 : memref<!tpu.dma_semaphore, #tpu.memory_space<semaphore_mem>>) src(%dma_wait3A_266 : memref<10000x128xf32, #tpu.memory_space<hbm>>) dst(%arg12 : memref<80x128xf32, #tpu.memory_space<vmem>>)
    %barrier3A_267 = arith.constant 0 : index
    tpu.barrier barrier_id(%barrier3A_267)
    %mul3A_268 = arith.constant 312 : i32
    %mul3A_269 = arith.muli %arg1, %mul3A_268 : i32
    %mul3A_270 = arith.constant 312 : i32
    %mul3A_271 = arith.muli %arg1, %mul3A_270 : i32
    %add3A_272 = arith.constant 5000 : i32
    %add3A_273 = arith.addi %add3A_272, %mul3A_271 : i32
    "tpu.region"() ({
      %run_scoped3A_279 = tpu.sem_alloc : memref<!tpu.dma_semaphore, #tpu.memory_space<semaphore_mem>>
      %dma_start3A_280 = arith.constant 0 : i32
      %dma_start3A_281 = tpu.memref_slice %arg6[%arg0, %add3A_273, %dma_start3A_280] : memref<2x10000x128xf32, #tpu.memory_space<hbm>> -> memref<1x312x128xf32, #tpu.memory_space<hbm>>
      %dma_start3A_282 = tpu.memref_squeeze %dma_start3A_281 : memref<1x312x128xf32, #tpu.memory_space<hbm>> -> memref<312x128xf32, #tpu.memory_space<hbm>>
      %dma_start3A_283 = arith.constant 0 : i32
      %dma_start3A_284 = tpu.memref_slice %arg13[%mul3A_269, %dma_start3A_283] : memref<5064x128xf32, #tpu.memory_space<vmem_shared>> -> memref<312x128xf32, #tpu.memory_space<vmem_shared>>
      tpu.enqueue_dma source(%dma_start3A_284 : memref<312x128xf32, #tpu.memory_space<vmem_shared>>) target(%dma_start3A_282 : memref<312x128xf32, #tpu.memory_space<hbm>>) target_semaphore(%run_scoped3A_279 : memref<!tpu.dma_semaphore, #tpu.memory_space<semaphore_mem>>)
      %dma_wait3A_285 = arith.constant 0 : i32
      %dma_wait3A_286 = tpu.memref_slice %arg6[%arg0, %add3A_273, %dma_wait3A_285] : memref<2x10000x128xf32, #tpu.memory_space<hbm>> -> memref<1x312x128xf32, #tpu.memory_space<hbm>>
      %dma_wait3A_287 = tpu.memref_squeeze %dma_wait3A_286 : memref<1x312x128xf32, #tpu.memory_space<hbm>> -> memref<312x128xf32, #tpu.memory_space<hbm>>
      %dma_wait3A_288 = arith.constant 0 : i32
      %dma_wait3A_289 = tpu.memref_slice %arg13[%mul3A_269, %dma_wait3A_288] : memref<5064x128xf32, #tpu.memory_space<vmem_shared>> -> memref<312x128xf32, #tpu.memory_space<vmem_shared>>
      tpu.wait_dma2 semaphore(%run_scoped3A_279 : memref<!tpu.dma_semaphore, #tpu.memory_space<semaphore_mem>>) src(%dma_wait3A_289 : memref<312x128xf32, #tpu.memory_space<vmem_shared>>) dst(%dma_wait3A_287 : memref<312x128xf32, #tpu.memory_space<hbm>>)
      tpu.yield
    }) : () -> ()
    %eq3A_274 = arith.constant 0 : i32
    %eq3A_275 = arith.cmpi eq, %arg1, %eq3A_274 : i32
    %convert_element_type3A_276 = arith.extui %eq3A_275 : i1 to i32
    %cond3A_277 = arith.constant 0 : i32
    %cond3A_278 = arith.cmpi ne, %convert_element_type3A_276, %cond3A_277 : i32
    scf.if %cond3A_278 {
      "tpu.region"() ({
        %run_scoped3A_279 = tpu.sem_alloc : memref<!tpu.dma_semaphore, #tpu.memory_space<semaphore_mem>>
        %dma_start3A_280 = arith.constant 9992 : i32
        %dma_start3A_281 = arith.constant 0 : i32
        %dma_start3A_282 = tpu.memref_slice %arg6[%arg0, %dma_start3A_280, %dma_start3A_281] : memref<2x10000x128xf32, #tpu.memory_space<hbm>> -> memref<1x8x128xf32, #tpu.memory_space<hbm>>
        %dma_start3A_283 = tpu.memref_squeeze %dma_start3A_282 : memref<1x8x128xf32, #tpu.memory_space<hbm>> -> memref<8x128xf32, #tpu.memory_space<hbm>>
        %dma_start3A_284 = arith.constant 4992 : i32
        %dma_start3A_285 = arith.constant 0 : i32
        %dma_start3A_286 = tpu.memref_slice %arg13[%dma_start3A_284, %dma_start3A_285] : memref<5064x128xf32, #tpu.memory_space<vmem_shared>> -> memref<8x128xf32, #tpu.memory_space<vmem_shared>>
        tpu.enqueue_dma source(%dma_start3A_286 : memref<8x128xf32, #tpu.memory_space<vmem_shared>>) target(%dma_start3A_283 : memref<8x128xf32, #tpu.memory_space<hbm>>) target_semaphore(%run_scoped3A_279 : memref<!tpu.dma_semaphore, #tpu.memory_space<semaphore_mem>>)
        %dma_wait3A_287 = arith.constant 9992 : i32
        %dma_wait3A_288 = arith.constant 0 : i32
        %dma_wait3A_289 = tpu.memref_slice %arg6[%arg0, %dma_wait3A_287, %dma_wait3A_288] : memref<2x10000x128xf32, #tpu.memory_space<hbm>> -> memref<1x8x128xf32, #tpu.memory_space<hbm>>
        %dma_wait3A_290 = tpu.memref_squeeze %dma_wait3A_289 : memref<1x8x128xf32, #tpu.memory_space<hbm>> -> memref<8x128xf32, #tpu.memory_space<hbm>>
        %dma_wait3A_291 = arith.constant 4992 : i32
        %dma_wait3A_292 = arith.constant 0 : i32
        %dma_wait3A_293 = tpu.memref_slice %arg13[%dma_wait3A_291, %dma_wait3A_292] : memref<5064x128xf32, #tpu.memory_space<vmem_shared>> -> memref<8x128xf32, #tpu.memory_space<vmem_shared>>
        tpu.wait_dma2 semaphore(%run_scoped3A_279 : memref<!tpu.dma_semaphore, #tpu.memory_space<semaphore_mem>>) src(%dma_wait3A_293 : memref<8x128xf32, #tpu.memory_space<vmem_shared>>) dst(%dma_wait3A_290 : memref<8x128xf32, #tpu.memory_space<hbm>>)
        tpu.yield
      }) : () -> ()
    } else {
    }
    return
  }
}

module attributes {stable_mosaic.version = 14 : i64} {
  func.func @_mm_body(%arg0: i32, %arg1: memref<1000x128xf32, #tpu.memory_space<vmem>>, %arg2: memref<128x128xf32, #tpu.memory_space<vmem>>, %arg3: memref<1000x128xf32, #tpu.memory_space<vmem>>) attributes {dimension_semantics = [#tpu.dimension_semantics<arbitrary>], iteration_bounds = array<i64: 10>, scalar_prefetch = 0 : i64, scratch_operands = 0 : i64, tpu.core_type = #tpu.core_type<tc>, window_params = [{transform_indices = @transform_0, window_bounds = array<i64: 1000, 128>}, {pipeline_mode = #tpu.pipeline_mode<synchronous>, transform_indices = @transform_1, window_bounds = array<i64: 128, 128>}, {transform_indices = @transform_2, window_bounds = array<i64: 1000, 128>}]} {
    %get3A = arith.constant 0 : index
    %get3A_0 = arith.constant 0 : index
    %get3A_1 = vector.load %arg1[%get3A, %get3A_0] : memref<1000x128xf32, #tpu.memory_space<vmem>>, vector<1000x128xf32>
    %get3A_2 = arith.constant 0 : index
    %get3A_3 = arith.constant 0 : index
    %get3A_4 = vector.load %arg2[%get3A_2, %get3A_3] : memref<128x128xf32, #tpu.memory_space<vmem>>, vector<128x128xf32>
    %dot_general3A = arith.constant dense<0.000000e+00> : vector<1000x128xf32>
    %dot_general3A_5 = tpu.matmul %get3A_1, %get3A_4, %dot_general3A {dimension_numbers = #tpu.dot_dimension_numbers<[1], [0], [0], [1], [0, 0, 1, 1], [], []>, transpose_lhs_hint = false} : vector<1000x128xf32>, vector<128x128xf32>, vector<1000x128xf32> -> vector<1000x128xf32>
    %swap3A = arith.constant 0 : index
    %swap3A_6 = arith.constant 0 : index
    %swap3A_7 = vector.load %arg3[%swap3A, %swap3A_6] : memref<1000x128xf32, #tpu.memory_space<vmem>>, vector<1000x128xf32>
    tpu.vector_store %arg3[%swap3A, %swap3A_6], %dot_general3A_5 {strides = array<i32>} : memref<1000x128xf32, #tpu.memory_space<vmem>>, vector<1000x128xf32>,
    return
  }
  func.func @transform_0(%arg0: i32) -> (i32, i32) {
    %c0_i32 = arith.constant 0 : i32
    %c0_i32_0 = arith.constant 0 : i32
    return %arg0, %c0_i32 : i32, i32
  }
  func.func @transform_1(%arg0: i32) -> (i32, i32) {
    %c0_i32 = arith.constant 0 : i32
    %c0_i32_0 = arith.constant 0 : i32
    %c0_i32_1 = arith.constant 0 : i32
    return %c0_i32, %c0_i32_0 : i32, i32
  }
  func.func @transform_2(%arg0: i32) -> (i32, i32) {
    %c0_i32 = arith.constant 0 : i32
    %c0_i32_0 = arith.constant 0 : i32
    return %arg0, %c0_i32 : i32, i32
  }
}

module attributes {stable_mosaic.version = 14 : i64} {
  func.func @_combine_body(%arg0: i32, %arg1: memref<1000x128xf32, #tpu.memory_space<vmem>>, %arg2: memref<128x128xf32, #tpu.memory_space<vmem>>, %arg3: memref<2x1000x128xf32, #tpu.memory_space<vmem>>, %arg4: memref<1000x128xf32, #tpu.memory_space<vmem>>) attributes {dimension_semantics = [#tpu.dimension_semantics<arbitrary>], iteration_bounds = array<i64: 10>, scalar_prefetch = 0 : i64, scratch_operands = 0 : i64, tpu.core_type = #tpu.core_type<tc>, window_params = [{transform_indices = @transform_0, window_bounds = array<i64: 1000, 128>}, {pipeline_mode = #tpu.pipeline_mode<synchronous>, transform_indices = @transform_1, window_bounds = array<i64: 128, 128>}, {transform_indices = @transform_2, window_bounds = array<i64: 2, 1000, 128>}, {transform_indices = @transform_3, window_bounds = array<i64: 1000, 128>}]} {
    %get3A = arith.constant 0 : index
    %get3A_0 = arith.constant 0 : index
    %get3A_1 = vector.load %arg1[%get3A, %get3A_0] : memref<1000x128xf32, #tpu.memory_space<vmem>>, vector<1000x128xf32>
    %get3A_2 = arith.constant 0 : index
    %get3A_3 = arith.constant 0 : index
    %get3A_4 = vector.load %arg2[%get3A_2, %get3A_3] : memref<128x128xf32, #tpu.memory_space<vmem>>, vector<128x128xf32>
    %dot_general3A = arith.constant dense<0.000000e+00> : vector<1000x128xf32>
    %dot_general3A_5 = tpu.matmul %get3A_1, %get3A_4, %dot_general3A {dimension_numbers = #tpu.dot_dimension_numbers<[1], [0], [0], [1], [0, 0, 1, 1], [], []>, transpose_lhs_hint = false} : vector<1000x128xf32>, vector<128x128xf32>, vector<1000x128xf32> -> vector<1000x128xf32>
    %get3A_6 = arith.constant 0 : index
    %get3A_7 = arith.constant 0 : index
    %get3A_8 = arith.constant 0 : index
    %get3A_9 = vector.load %arg3[%get3A_6, %get3A_7, %get3A_8] : memref<2x1000x128xf32, #tpu.memory_space<vmem>>, vector<1x1000x128xf32>
    %get3A_10 = vector.shape_cast %get3A_9 : vector<1x1000x128xf32> to vector<1000x128xf32>
    %add3A = arith.addf %dot_general3A_5, %get3A_10 : vector<1000x128xf32>
    %get3A_11 = arith.constant 1 : index
    %get3A_12 = arith.constant 0 : index
    %get3A_13 = arith.constant 0 : index
    %get3A_14 = vector.load %arg3[%get3A_11, %get3A_12, %get3A_13] : memref<2x1000x128xf32, #tpu.memory_space<vmem>>, vector<1x1000x128xf32>
    %get3A_15 = vector.shape_cast %get3A_14 : vector<1x1000x128xf32> to vector<1000x128xf32>
    %add3A_16 = arith.addf %add3A, %get3A_15 : vector<1000x128xf32>
    %max3A = arith.constant 0.000000e+00 : f32
    %max3A_17 = vector.broadcast %max3A : f32 to vector<1000x128xf32>
    %max3A_18 = arith.maximumf %add3A_16, %max3A_17 : vector<1000x128xf32>
    %swap3A = arith.constant 0 : index
    %swap3A_19 = arith.constant 0 : index
    %swap3A_20 = vector.load %arg4[%swap3A, %swap3A_19] : memref<1000x128xf32, #tpu.memory_space<vmem>>, vector<1000x128xf32>
    tpu.vector_store %arg4[%swap3A, %swap3A_19], %max3A_18 {strides = array<i32>} : memref<1000x128xf32, #tpu.memory_space<vmem>>, vector<1000x128xf32>,
    return
  }
  func.func @transform_0(%arg0: i32) -> (i32, i32) {
    %c0_i32 = arith.constant 0 : i32
    %c0_i32_0 = arith.constant 0 : i32
    return %arg0, %c0_i32 : i32, i32
  }
  func.func @transform_1(%arg0: i32) -> (i32, i32) {
    %c0_i32 = arith.constant 0 : i32
    %c0_i32_0 = arith.constant 0 : i32
    %c0_i32_1 = arith.constant 0 : i32
    return %c0_i32, %c0_i32_0 : i32, i32
  }
  func.func @transform_2(%arg0: i32) -> (i32, i32, i32) {
    %c0_i32 = arith.constant 0 : i32
    %c0_i32_0 = arith.constant 0 : i32
    %c0_i32_1 = arith.constant 0 : i32
    return %c0_i32, %arg0, %c0_i32_0 : i32, i32, i32
  }
  func.func @transform_3(%arg0: i32) -> (i32, i32) {
    %c0_i32 = arith.constant 0 : i32
    %c0_i32_0 = arith.constant 0 : i32
    return %arg0, %c0_i32 : i32, i32
  }
}

</mosaic_0001>

<sc_bundles>
// kernel: kernel.5.cloned.1.call-start
scs
__scs_entry_jumppad:
0x0: {  	(pc) =	sbr.rel $0x88, $3  }
0x1: {  	(tag) =	ssettag $0x0;
	lr =	simm.s32 $0x1  }
0x2: {  	[smem:$0x3F9D] =	sst lr;
	_ =	strace $0xD0000000  }
0x3: {  	_ = 	snop  }
0x4: {  	_ = 	snop  }
0x5: {  	_ = 	snop  }
0x6: {  	_ = 	snop  }
0x7: {  	_ = 	snop  }
__scs_overlays_trampoline_lowered:
0x8: {  	[smem:$0x3FAC] =	sst s0  }
0x9: {  	[smem:$0x3FAD] =	sst s1  }
0xa: {  	[smem:$0x3FAE] =	sst s2  }
0xb: {  	[smem:$0x3FAF] =	sst s3  }
0xc: {  	[smem:$0x3FB0] =	sst s4  }
0xd: {  	[smem:$0x3FB1] =	sst s5  }
0xe: {  	[smem:$0x3FB2] =	sst s6  }
0xf: {  	[smem:$0x3FB3] =	sst s7  }
0x10: {  	[smem:$0x3FB4] =	sst s8  }
0x11: {  	[smem:$0x3FB5] =	sst s9;
	s0 =	simm.s32 @!p0 $0x0  }
0x12: {  	s1 =	sld [smem:$0x3F9B];
	s0 =	simm.s32 @p0 $0x1  }
0x13: {  	[smem:$0x3FB6] =	sst s0;
	s0 =	simm.s32 @!p1 $0x0  }
0x14: {  	s2 =	sld [smem:$0x3F9A];
	s0 =	simm.s32 @p1 $0x1  }
0x15: {  	[smem:$0x3FB7] =	sst s0;
	s0 =	simm.s32 @!p2 $0x0  }
0x16: {  	s3 =	sld [smem:$0x3FDB];
	s0 =	simm.s32 @p2 $0x1  }
0x17: {  	s4 =	simm.s32 $0x1BF5;
	[smem:$0x3FB9] =	sst s0  }
0x18: {  	s0 =	sld [smem:$0x3F9C];
	_ =	swait.ge [sflag:s4], $0x0  }
0x19: {  	s7 =	sld [smem:$0x3F9D]  }
0x1a: {  	s8 =	sadd.s32 $0xFFFFE003, lr  }
0x1b: {  	s9 =	sadd.s32 $0xFFFFFEF7, lr;
	s5 =	simm.s32 $0xFFFFFFFF;
	p2 =	slt.u32 s8, $0xFFFFF086  }
0x1c: {  	p1 =	slt.u32 s9, $0xF7A;
	s5 =	simm.s32 @!p2 $0x0  }
0x1d: {  	s5 =	simm.s32 @p1 $0x1;
	p0 =	seq.s32 s7, s2  }
0x1e: {  	s7 =	smul.u32 @!p0 $0xF7A, s2;
	p2 =	seq.s32 @!p0 s5, $0x0  }
0x1f: {  	s9 =	smul.u32 $0xF7A, s1;
	s8 =	simm.s32 @!p0 $0x1BF5;
	p2 =	por !p2, p0  }
0x20: {  	[sflag:s8] =	ssyncset.s32 @!p0 $0xFFFFF086;
	s6 =	sadd.s32 @!p0 s3, s7;
	s7 =	simm.s32 @!p0 $0x108  }
0x21: {  	s3 =	sadd.s32 s3, s9;
	s6 =	sadd.s32 @!p0 $0x88, s6;
	s7 =	simm.s32 @p2 $0x1082  }
0x22: {  	[simem:s7], [sflag:s8] =	dma.local @!p0 [hbm:s6], $0xF7A  }
0x23: {  	s9 =	sor.u32 $0xD0000000, s2;
	s6 =	simm.s32 $0x108;
	_ =	swait.ge @!p0 [sflag:s8], $0x0  }
0x24: {  	s3 =	sadd.s32 $0x88, s3;
	s6 =	simm.s32 @!p1 $0x1082;
	[sflag:s4] =	ssyncset.s32 $0xFFFFF086  }
0x25: {  	[simem:s6], [sflag:s4] =	dma.local [hbm:s3], $0xF7A  }
0x26: {  	[smem:$0x3F9D] =	sst s1;
	(tag) =	ssettag s2;
	_ =	strace s9  }
0x27: {  	s1 =	sld [smem:$0x3FAD]  }
0x28: {  	s2 =	sld [smem:$0x3FAE]  }
0x29: {  	s4 =	sld [smem:$0x3FB0]  }
0x2a: {  	p0 =	seq.s32 s5, $0x0;
	s5 =	sld [smem:$0x3FB1]  }
0x2b: {  	s6 =	sld [smem:$0x3FB2]  }
0x2c: {  	s7 =	sld [smem:$0x3FB3]  }
0x2d: {  	s3 =	simm.s32 $0x108;
	s8 =	sld [smem:$0x3FB4]  }
0x2e: {  	s3 =	simm.s32 @!p0 $0x1082;
	s9 =	sld [smem:$0x3FB5]  }
0x2f: {  	lr =	sadd.s32 s0, s3;
	s0 =	sld [smem:$0x3FAC]  }
0x30: {  	s3 =	sld [smem:$0x3FAF]  }
0x31: {  	[smem:$0x3FB8] =	sst s10  }
0x32: {  	s10 =	sld [smem:$0x3FB6];
	_ =	sdelay $0x3  }
0x33: {  	p0 =	seq.s32 s10, $0x1;
	s10 =	sld [smem:$0x3FB8];
	_ =	sdelay $0x3  }
0x34: {  	[smem:$0x3FB8] =	sst s10  }
0x35: {  	s10 =	sld [smem:$0x3FB7];
	_ =	sdelay $0x3  }
0x36: {  	p1 =	seq.s32 s10, $0x1;
	s10 =	sld [smem:$0x3FB8];
	_ =	sdelay $0x3  }
0x37: {  	[smem:$0x3FB8] =	sst s10  }
0x38: {  	s10 =	sld [smem:$0x3FB9]  }
0x39: {  	_ = 	snop;
	(pc) =	sbr.ind lr, $3  }
0x3a: {  	_ = 	snop  }
0x3b: {  	_ = 	snop  }
0x3c: {  	p2 =	seq.s32 s10, $0x1;
	s10 =	sld [smem:$0x3FB8]  }
0x3d: {  	_ =	shalt  }
0x3e: {  	_ =	shalt  }
0x3f: {  	_ =	shalt  }
0x40: {  	_ =	shalt  }
0x41: {  	_ =	shalt  }
0x42: {  	_ =	shalt  }
0x43: {  	_ =	shalt  }
0x44: {  	_ =	shalt  }
0x45: {  	_ =	shalt  }
0x46: {  	_ =	shalt  }
0x47: {  	_ =	shalt  }
0x48: {  	_ =	shalt  }
0x49: {  	_ =	shalt  }
0x4a: {  	_ =	shalt  }
0x4b: {  	_ =	shalt  }
0x4c: {  	_ =	shalt  }
0x4d: {  	_ =	shalt  }
0x4e: {  	_ =	shalt  }
0x4f: {  	_ =	shalt  }
0x50: {  	_ =	shalt  }
0x51: {  	_ =	shalt  }
0x52: {  	_ =	shalt  }
0x53: {  	_ =	shalt  }
0x54: {  	_ =	shalt  }
0x55: {  	_ =	shalt  }
0x56: {  	_ =	shalt  }
0x57: {  	_ =	shalt  }
0x58: {  	_ =	shalt  }
0x59: {  	_ =	shalt  }
0x5a: {  	_ =	shalt  }
0x5b: {  	_ =	shalt  }
0x5c: {  	_ =	shalt  }
0x5d: {  	_ =	shalt  }
0x5e: {  	_ =	shalt  }
0x5f: {  	_ =	shalt  }
0x60: {  	_ =	shalt  }
0x61: {  	_ =	shalt  }
0x62: {  	_ =	shalt  }
0x63: {  	_ =	shalt  }
0x64: {  	_ =	shalt  }
0x65: {  	_ =	shalt  }
0x66: {  	_ =	shalt  }
0x67: {  	_ =	shalt  }
0x68: {  	_ =	shalt  }
0x69: {  	_ =	shalt  }
0x6a: {  	_ =	shalt  }
0x6b: {  	_ =	shalt  }
0x6c: {  	_ =	shalt  }
0x6d: {  	_ =	shalt  }
0x6e: {  	_ =	shalt  }
0x6f: {  	_ =	shalt  }
0x70: {  	_ =	shalt  }
0x71: {  	_ =	shalt  }
0x72: {  	_ =	shalt  }
0x73: {  	_ =	shalt  }
0x74: {  	_ =	shalt  }
0x75: {  	_ =	shalt  }
0x76: {  	_ =	shalt  }
0x77: {  	_ =	shalt  }
0x78: {  	_ =	shalt  }
0x79: {  	_ =	shalt  }
0x7a: {  	_ =	shalt  }
0x7b: {  	_ =	shalt  }
0x7c: {  	_ =	shalt  }
0x7d: {  	_ =	shalt  }
0x7e: {  	_ =	shalt  }
0x7f: {  	_ =	shalt  }
0x80: {  	_ =	shalt  }
0x81: {  	_ =	shalt  }
0x82: {  	_ =	shalt  }
0x83: {  	_ =	shalt  }
0x84: {  	_ =	shalt  }
0x85: {  	_ =	shalt  }
0x86: {  	_ =	shalt  }
0x87: {  	_ =	shalt  }
.Lfunc_end0:
.L_simem_size_0:
called_computation_lowered:
.L_overlay_start_0:
0x88: {  	s2 =	sld [smem:$0x3FD9]  }
0x89: {  	s3 =	sld [smem:$0x3FFE];
	_ =	sdelay $0x1  }
0x8a: {  	s1 =	srdreg.scid  }
0x8b: {  	s0 =	sand.u32 $0x1, s1  }
0x8c: {  	s17 =	sshll.u32 s0, $0xA;
	s2 =	sadd.s32 s3, s2  }
0x8d: {  	s2 =	sadd.s32 s2, s17  }
0x8e: {  	[smem:$0x3FC4] =	sst s2  }
0x8f: {  	_ = 	snop  }
0x90: {  	s2 =	sld [smem:$0x3FD0];
	(tm) =	ssettm $0x1  }
0x91: {  	s18 =	sld [smem:$0x3FFB];
	_ =	sdelay $0x3  }
0x92: {  	_ =	strace s18  }
0x93: {  	s3 =	sld [smem:$0x3FFC];
	_ =	sdelay $0x3  }
0x94: {  	_ =	strace s3  }
0x95: {  	s3 =	sld [smem:$0x3FFD];
	_ =	sdelay $0x3  }
0x96: {  	_ =	strace s3  }
0x97: {  	_ =	strace $0x8FFFFFFF  }
0x98: {  	s19 =	sld [smem:$0x3FDB];
	_ =	sdelay $0x1  }
0x99: {  	s4 =	simm.s32 $_scs_section_size  }
0x9a: {  	s5 =	simm.s32 $_size__tile_overlayer_lowered;
	s6 =	simm.s32 $_tile_overlayer_lowered  }
0x9b: {  	s22 =	simm.s32 $0x1BFF;
	s21 =	sshll.u32 s6, $0x1;
	s3 =	sadd.s32 s4, s19  }
0x9c: {  	s7 =	simm.s32 $0x0;
	s20 =	sshll.u32 s5, $0x1;
	s5 =	sadd.s32 s21, s3  }
0x9d: {  	[timem:s7], [sflag:s22] =	dma.local [hbm:s5], s20  }
0x9e: {  	_ =	swait.ge [sflag:s22], s20  }
0x9f: {  	s4 =	ssub.s32 $0x0, s20;
	[sflag:s22] =	ssyncset.done $0x0  }
0xa0: {  	[sflag:s22] =	ssyncadd.s32 s4;
	_ =	sdelay $0x1  }
0xa1: {  	s23 =	simm.s32 $0x1B8B  }
0xa2: {  	_ =	swait.ge [sflag:s23], $0x1  }
0xa3: {  	[sflag:s23] =	ssyncset.done $0x0  }
0xa4: {  	s25 =	simm.s32 $0x1B8E;
	s24 =	sld [smem:$0x3FFE];
	[sflag:s23] =	ssyncadd.s32 $0xFFFFFFFF  }
0xa5: {  	s26 =	simm.s32 $execute0_lowered;
	[smem:$0x3FD2] =	sst s25  }
0xa6: {  	s5 =	sshll.u32 s26, $0x1;
	_ =	strace $0x80000046;
	[dreg:$0x1] =	wrdreg $0xFFFFFFFF  }
0xa7: {  	s28 =	simm.s32 $_size_execute0_lowered;
	s3 =	sadd.s32 s3, s5;
	[dreg:$0x0] =	wrdreg $0x0  }
0xa8: {  	s5 =	sshll.u32 s28, $0x1;
	[dreg:$0x2] =	wrdreg s3  }
0xa9: {  	[dreg:$0x3] =	wrdreg s5  }
0xaa: {  	[dreg:$0x4] =	wrdreg $0xC0  }
0xab: {  	_ =	task [dreg:s7], $0x5FFFF  }
0xac: {  	[dreg:$0x1] =	wrdreg $0xFFFFFFFF  }
0xad: {  	[dreg:$0x0] =	wrdreg $0x60  }
0xae: {  	[dreg:$0x2] =	wrdreg s2  }
0xaf: {  	[dreg:$0x3] =	wrdreg s24  }
0xb0: {  	[dreg:$0x4] =	wrdreg $0x160000  }
0xb1: {  	[dreg:$0x5] =	wrdreg $0x9  }
0xb2: {  	_ =	task.clear_ibuf [dreg:s7], $0x6FFFF;
	_ =	strace $0x90000046  }
0xb3: {  	s29 =	simm.s32 $0x9;
	_ =	strace $0x80000048  }
0xb4: {  	_ =	swait.ge [sflag:s29], $0x1  }
0xb5: {  	[sflag:s29] =	ssyncadd.s32 $0xFFFFFFFF  }
0xb6: {  	_ =	strace $0x90000048  }
0xb7: {  	_ =	sfence  }
0xb8: {  	s30 =	sld [smem:$0x0];
	_ =	sdelay $0x2  }
0xb9: {  	s31 =	sshll.u32 s1, $0xD;
	s1 =	sshrl.u32 s1, $0x2  }
0xba: {  	s3 =	sand.u32 $0x4000, s31;
	s1 =	sadd.s32 s1, s30  }
0xbb: {  	s0 =	sor.u32 s3, s0;
	s1 =	sshll.u32 s1, $0x11  }
0xbc: {  	s0 =	sor.u32 s1, s0  }
0xbd: {  	s0 =	sadd.s32 $0x8F2B, s0  }
0xbe: {  	[sflag:s0] =	ssyncadd.remote.s32 $0x1  }
0xbf: {  	_ =	sfence.sel $0xFFFF  }
0xc0: {  	[dreg:$0x0] =	wrdreg $0xFFFFFFFF;
	(pc) =	sbr.abs _section_cstart, $3  }
0xc1: {  	[dreg:$0x1] =	wrdreg $0xFFFFFFFF  }
0xc2: {  	_ =	task.clear_ibuf [dreg:s7], $0x2FFFF;
	_ =	strace $0x9FFFFFFF  }
0xc3: {  	(tm) =	ssettm $0x7FFFFFFF  }
tec
execute0_lowered:
.L_overlay_start_1:
0x0: {  	(tag) =	ssettag $0x1  }
0x1: {  	s0 =	rddreg [dreg:$0x0]  }
0x2: {  	s1 =	srdreg.scid;
	s2 =	rddreg [dreg:$0x1]  }
0x3: {  	s3 =	rddreg [dreg:$0x2];
	s11 =	stileid.u32  }
0x4: {  	s4 =	simm.s32 $0x0;
	s28 =	simm.s32 $0x180;
	s29 =	simm.s32 $0x13800  }
0x5: {  	s30 =	simm.s32 $0x1;
	s31 =	simm.s32 $0x2;
	s8 =	smul.u32 $0x27000, s11  }
0x6: {  	s1 =	sand.u32 $0x1, s1;
	[smem:$0x7FF] =	sst s4;
	s21 =	smul.u32 $0x9C00, s11  }
0x7: {  	s24 =	sshll.u32 s11, $0xA;
	s13 =	sadd.s32 $0x9C000, s3;
	p0 =	sgt.u32 s11, $0x7  }
0x8: {  	s5 =	sshll.u32 s1, $0x4;
	_ =	strace $0x80000047;
	s7 =	ssub.s32 $0x2, s1  }
0x9: {  	s1 =	smul.u32 $0x138800, s1;
	p2 =	sne.s32 @!p0 s11, $0x0;
	s5 =	sor.u32 s11, s5  }
0xa: {  	s10 =	sshrl.u32 s7, $0x1;
	s18 =	sshrl.u32 s8, $0x2;
	s8 =	sadd.s32 s24, s3  }
0xb: {  	s24 =	simm.s32 $0xE800;
	p1 =	por p2, p0;
	p2 =	por !p2, p0  }
0xc: {  	s6 =	sshll.u32 s5, $0xB;
	s5 =	sshll.u32 s5, $0xC;
	s10 =	ssub.s32 s7, s10  }
0xd: {  	s7 =	sadd.s32 s18, s3;
	s8 =	sadd.s32 $0x9C400, s8;
	s6 =	sadd.s32 s6, s2  }
0xe: {  	s9 =	sadd.s32 s5, s2;
	s20 =	sadd.s32 $0x2800, s7;
	[dreg:$0x9] =	wrdreg s8  }
0xf: {  	s5 =	sadd.s32 $0x30E00, s2;
	s22 =	sadd.s32 $0x5000, s7;
	[dreg:$0x6] =	wrdreg s20  }
0x10: {  	s2 =	sadd.s32 $0x31400, s2;
	s23 =	sadd.s32 $0x7800, s7;
	[dreg:$0x7] =	wrdreg s22  }
0x11: {  	s18 =	smax.u32 s10, $0x1;
	s6 =	sadd.s32 $0xE00, s6;
	[dreg:$0x8] =	wrdreg s23  }
0x12: {  	s19 =	sadd.s32 $0x10E00, s9;
	s22 =	simm.s32 $0xC000;
	[dreg:$0x4] =	wrdreg s6  }
0x13: {  	s23 =	simm.s32 $0x80;
	s20 =	simm.s32 $0x4;
	[dreg:$0x5] =	wrdreg s19  }
0x14: {  	s6 =	sadd.s32 s21, s1;
	s1 =	sshrl.u32 s1, $0x3;
	s19 =	simm.s32 $0x5  }
0x15: {  	s21 =	simm.s32 $0x50;
	s6 =	sshrl.u32 s6, $0x3;
	s1 =	sadd.s32 s2, s1  }
0x16: {  	s14 =	sadd.s32 s2, s6;
	s25 =	sadd.s32 $0x13800, s1;
	s1 =	sadd.s32 $0x27080, s1  }
0x17: {  	s2 =	simm.s32 $0x3E00;
	s6 =	simm.s32 $0x0;
	[dreg:$0xa] =	wrdreg s25  }
0x18: {  	s26 =	sadd.s32 $0x13880, s14;
	[dreg:$0xc] =	wrdreg s1;
	s25 =	simm.s32 $0x100  }
0x19: {  	s1 =	simm.s32 $0x3;
	[dreg:$0xb] =	wrdreg s26;
	s26 =	simm.s32 $0x11000  }
.LBB2_1:
0x1a: {  	s8 =	rddreg [dreg:$0x4]  }
0x1b: {  	[tilespmem:s4], [sflag:$0x5] =	stream.linear.gather [hbm4b:s8+s4], $0x3E80, $0x38;
	[tilespmem:$0x1FE40] =	vst v63  }
0x1c: {  	_ =	swait.ge [sflag:s19], $0x3E80  }
0x1d: {  	[sflag:s19] =	ssyncset.done $0x0  }
0x1e: {  	s9 =	simm.s32 $0x4000;
	s12 =	rddreg [dreg:$0x5];
	[sflag:s19] =	ssyncadd.s32 $0xFFFFC180  }
0x1f: {  	[tilespmem:s9], [sflag:$0x5] =	stream.linear.gather [hbm4b:s12+s4], $0x7D00, $0x38;
	[tilespmem:$0x1FE40] =	vst v63  }
0x20: {  	_ =	swait.ge [sflag:s19], $0x7D00  }
0x21: {  	[sflag:s19] =	ssyncset.done $0x0  }
0x22: {  	[sflag:s19] =	ssyncadd.s32 $0xFFFF8300  }
0x23: {  	[tilespmem:s22], [sflag:$0x1] =	stream.indirect.gather [hbm4b:s0+s21], $0x80, s4, s21, $0xb8;
	[tilespmem:$0x1FE40] =	vst v63  }
0x24: {  	s15 =	stileid.u32  }
0x25: {  	[tilespmem:s24], [sflag:$0x2] =	stream.indirect.gather [hbm4b:s0+s21], $0x80, s23, s21, $0xb8;
	[tilespmem:$0x1FE40] =	vst v63  }
0x26: {  	s8 =	sshll.u32 s15, $0x6  }
0x27: {  	[tilespmem:s26], [sflag:$0x3] =	stream.indirect.gather [hbm4b:s0+s21], $0x80, s25, s21, $0xb8;
	[tilespmem:$0x1FE40] =	vst v63  }
0x28: {  	s8 =	sor.u32 $0x1C05, s8;
	s9 =	sshrl.u32 s7, $0x3  }
0x29: {  	[tilespmem:s29], [sflag:$0x4] =	stream.indirect.gather [hbm4b:s0+s21], $0x80, s28, s21, $0xb8;
	[tilespmem:$0x1FE40] =	vst v63  }
0x2a: {  	[spmem:s9], [sflag:s8] =	dma.local [hbm:s5], $0x500  }
0x2b: {  	_ =	swait.ge [sflag:s19], $0x500  }
0x2c: {  	[sflag:s19] =	ssyncset.done $0x0;
	s10 =	rddreg [dreg:$0x6]  }
0x2d: {  	[sflag:s19] =	ssyncadd.s32 $0xFFFFFB00;
	s11 =	sshrl.u32 s10, $0x3  }
0x2e: {  	[spmem:s11], [sflag:s8] =	dma.local [hbm:s5], $0x500  }
0x2f: {  	_ =	swait.ge [sflag:s19], $0x500  }
0x30: {  	[sflag:s19] =	ssyncset.done $0x0;
	s16 =	rddreg [dreg:$0x7]  }
0x31: {  	[sflag:s19] =	ssyncadd.s32 $0xFFFFFB00;
	s12 =	sshrl.u32 s16, $0x3  }
0x32: {  	[spmem:s12], [sflag:s8] =	dma.local [hbm:s5], $0x500  }
0x33: {  	_ =	swait.ge [sflag:s19], $0x500  }
0x34: {  	[sflag:s19] =	ssyncset.done $0x0;
	s17 =	rddreg [dreg:$0x8]  }
0x35: {  	[sflag:s19] =	ssyncadd.s32 $0xFFFFFB00;
	s15 =	sshrl.u32 s17, $0x3  }
0x36: {  	[spmem:s15], [sflag:s8] =	dma.local [hbm:s5], $0x480  }
0x37: {  	_ =	swait.ge [sflag:s19], $0x480  }
0x38: {  	[sflag:s19] =	ssyncset.done $0x0;
	s10 =	rddreg [dreg:$0x9]  }
0x39: {  	[sflag:s19] =	ssyncadd.s32 $0xFFFFFB80;
	s16 =	sshrl.u32 @!p0 s10, $0x3;
	s10 =	simm.s32 @!p0 $0x5  }
0x3a: {  	[spmem:s16], [sflag:s8] =	dma.local @!p0 [hbm:s5], $0x80  }
0x3b: {  	_ =	swait.ge @!p0 [sflag:s10], $0x80  }
0x3c: {  	[sflag:s10] =	ssyncset.done @!p0 $0x0  }
0x3d: {  	[sflag:s10] =	ssyncadd.s32 @!p0 $0xFFFFFF80;
	s10 =	sshrl.u32 @!p1 s13, $0x3  }
0x3e: {  	[spmem:s10], [sflag:s8] =	dma.local @!p1 [hbm:s5], $0x80  }
0x3f: {  	s10 =	simm.s32 @!p1 $0x5  }
0x40: {  	_ =	swait.ge @!p1 [sflag:s10], $0x80  }
0x41: {  	[sflag:s10] =	ssyncset.done @!p1 $0x0  }
0x42: {  	[sflag:s10] =	ssyncadd.s32 @!p1 $0xFFFFFF80  }
0x43: {  	[bflag:$0x0] =	sbarrier.arrive $0xFFFF  }
0x44: {  	_ =	swait.ge [sflag:s30], $0x2800  }
0x45: {  	[sflag:s30] =	ssyncset.done $0x0  }
0x46: {  	s23 =	simm.s32 $0x4000;
	[sflag:s30] =	ssyncadd.s32 $0xFFFFD800  }
0x47: {  	[spmem:s3] =	stream.indirect.scatter.add.f32 [tilespmem:s22], [sflag:$0x5], $0x80, s23, s21, $0xb8;
	[tilespmem:$0x1FE40] =	vst v63  }
0x48: {  	_ =	swait.ge [sflag:s19], $0x2800  }
0x49: {  	[sflag:s19] =	ssyncset.done $0x0  }
0x4a: {  	s17 =	simm.s32 $0x200;
	[sflag:s19] =	ssyncadd.s32 $0xFFFFD800  }
0x4b: {  	[tilespmem:s22], [sflag:$0x1] =	stream.indirect.gather [hbm4b:s0+s21], $0x80, s17, s21, $0xb8;
	[tilespmem:$0x1FE40] =	vst v63  }
0x4c: {  	_ =	swait.ge [sflag:s31], $0x2800  }
0x4d: {  	[sflag:s31] =	ssyncset.done $0x0  }
0x4e: {  	s23 =	simm.s32 $0x4080;
	[sflag:s31] =	ssyncadd.s32 $0xFFFFD800  }
0x4f: {  	[spmem:s3] =	stream.indirect.scatter.add.f32 [tilespmem:s24], [sflag:$0x5], $0x80, s23, s21, $0xb8;
	[tilespmem:$0x1FE40] =	vst v63  }
0x50: {  	_ =	swait.ge [sflag:s19], $0x2800  }
0x51: {  	[sflag:s19] =	ssyncset.done $0x0  }
0x52: {  	s17 =	simm.s32 $0x280;
	[sflag:s19] =	ssyncadd.s32 $0xFFFFD800  }
0x53: {  	[tilespmem:s24], [sflag:$0x2] =	stream.indirect.gather [hbm4b:s0+s21], $0x80, s17, s21, $0xb8;
	[tilespmem:$0x1FE40] =	vst v63  }
0x54: {  	_ =	swait.ge [sflag:s1], $0x2800  }
0x55: {  	[sflag:s1] =	ssyncset.done $0x0  }
0x56: {  	s23 =	simm.s32 $0x4100;
	[sflag:s1] =	ssyncadd.s32 $0xFFFFD800  }
0x57: {  	[spmem:s3] =	stream.indirect.scatter.add.f32 [tilespmem:s26], [sflag:$0x5], $0x80, s23, s21, $0xb8;
	[tilespmem:$0x1FE40] =	vst v63  }
0x58: {  	_ =	swait.ge [sflag:s19], $0x2800  }
0x59: {  	[sflag:s19] =	ssyncset.done $0x0  }
0x5a: {  	s17 =	simm.s32 $0x300;
	[sflag:s19] =	ssyncadd.s32 $0xFFFFD800  }
0x5b: {  	[tilespmem:s26], [sflag:$0x3] =	stream.indirect.gather [hbm4b:s0+s21], $0x80, s17, s21, $0xb8;
	[tilespmem:$0x1FE40] =	vst v63  }
0x5c: {  	_ =	swait.ge [sflag:s20], $0x2800  }
0x5d: {  	p3 =	por @!p0 $0x0, $0x0;
	[sflag:s20] =	ssyncset.done $0x0  }
0x5e: {  	p4 =	por @!p1 $0x1, $0x1;
	s23 =	simm.s32 $0x4180;
	[sflag:s20] =	ssyncadd.s32 $0xFFFFD800  }
0x5f: {  	[spmem:s3] =	stream.indirect.scatter.add.f32 [tilespmem:s29], [sflag:$0x5], $0x80, s23, s21, $0xb8;
	[tilespmem:$0x1FE40] =	vst v63  }
0x60: {  	p4 =	por @!p2 p3, p3;
	p3 =	por $0x0, $0x0;
	_ =	swait.ge [sflag:s19], $0x2800  }
0x61: {  	p3 =	por @!p0 p4, p4;
	[sflag:s19] =	ssyncset.done $0x0  }
0x62: {  	s10 =	simm.s32 $0x800;
	s23 =	simm.s32 $0x380;
	[sflag:s19] =	ssyncadd.s32 $0xFFFFD800  }
.LBB2_2:
0x63: {  	[tilespmem:s29], [sflag:$0x4] =	stream.indirect.gather [hbm4b:s0+s21], $0x80, s23, s21, $0xb8;
	[tilespmem:$0x1FE40] =	vst v63  }
0x64: {  	s23 =	smov.u32 s10  }
0x65: {  	p4 =	sne.s32 s10, $0xE800;
	s10 =	sadd.s32 $0x800, s10;
	_ =	swait.ge [sflag:s30], $0x2800  }
0x66: {  	s23 =	sshra.s32 s23, $0x2;
	[sflag:s30] =	ssyncset.done $0x0  }
0x67: {  	s17 =	sadd.s32 $0x4000, s23;
	[sflag:s30] =	ssyncadd.s32 $0xFFFFD800  }
0x68: {  	[spmem:s3] =	stream.indirect.scatter.add.f32 [tilespmem:s22], [sflag:$0x5], $0x80, s17, s21, $0xb8;
	[tilespmem:$0x1FE40] =	vst v63  }
0x69: {  	_ =	swait.ge [sflag:s19], $0x2800  }
0x6a: {  	[sflag:s19] =	ssyncset.done $0x0  }
0x6b: {  	s17 =	sadd.s32 $0x200, s23;
	[sflag:s19] =	ssyncadd.s32 $0xFFFFD800  }
0x6c: {  	[tilespmem:s22], [sflag:$0x1] =	stream.indirect.gather [hbm4b:s0+s21], $0x80, s17, s21, $0xb8;
	[tilespmem:$0x1FE40] =	vst v63  }
0x6d: {  	_ =	swait.ge [sflag:s31], $0x2800  }
0x6e: {  	[sflag:s31] =	ssyncset.done $0x0  }
0x6f: {  	s17 =	sadd.s32 $0x4080, s23;
	[sflag:s31] =	ssyncadd.s32 $0xFFFFD800  }
0x70: {  	[spmem:s3] =	stream.indirect.scatter.add.f32 [tilespmem:s24], [sflag:$0x5], $0x80, s17, s21, $0xb8;
	[tilespmem:$0x1FE40] =	vst v63  }
0x71: {  	_ =	swait.ge [sflag:s19], $0x2800  }
0x72: {  	[sflag:s19] =	ssyncset.done $0x0  }
0x73: {  	s17 =	sadd.s32 $0x280, s23;
	[sflag:s19] =	ssyncadd.s32 $0xFFFFD800  }
0x74: {  	[tilespmem:s24], [sflag:$0x2] =	stream.indirect.gather [hbm4b:s0+s21], $0x80, s17, s21, $0xb8;
	[tilespmem:$0x1FE40] =	vst v63  }
0x75: {  	_ =	swait.ge [sflag:s1], $0x2800  }
0x76: {  	[sflag:s1] =	ssyncset.done $0x0  }
0x77: {  	s17 =	sadd.s32 $0x4100, s23;
	[sflag:s1] =	ssyncadd.s32 $0xFFFFD800  }
0x78: {  	[spmem:s3] =	stream.indirect.scatter.add.f32 [tilespmem:s26], [sflag:$0x5], $0x80, s17, s21, $0xb8;
	[tilespmem:$0x1FE40] =	vst v63  }
0x79: {  	_ =	swait.ge [sflag:s19], $0x2800  }
0x7a: {  	[sflag:s19] =	ssyncset.done $0x0  }
0x7b: {  	s17 =	sadd.s32 $0x300, s23;
	[sflag:s19] =	ssyncadd.s32 $0xFFFFD800  }
0x7c: {  	[tilespmem:s26], [sflag:$0x3] =	stream.indirect.gather [hbm4b:s0+s21], $0x80, s17, s21, $0xb8;
	[tilespmem:$0x1FE40] =	vst v63  }
0x7d: {  	_ =	swait.ge [sflag:s20], $0x2800  }
0x7e: {  	[sflag:s20] =	ssyncset.done $0x0  }
.Ltmp0:
0x7f: {  	s17 =	sadd.s32 $0x4180, s23;
	[sflag:s20] =	ssyncadd.s32 $0xFFFFD800;
	(pc) =	sbr.rel @p4 .LBB2_2-.Ltmp0, $4  }
0x80: {  	[spmem:s3] =	stream.indirect.scatter.add.f32 [tilespmem:s29], [sflag:$0x5], $0x80, s17, s21, $0xb8;
	[tilespmem:$0x1FE40] =	vst v63  }
0x81: {  	_ =	swait.ge [sflag:s19], $0x2800  }
0x82: {  	[sflag:s19] =	ssyncset.done $0x0  }
0x83: {  	s23 =	sadd.s32 $0x380, s23;
	[sflag:s19] =	ssyncadd.s32 $0xFFFFD800  }
0x84: {  	[tilespmem:s29], [sflag:$0x4] =	stream.indirect.gather [hbm4b:s0+s21], $0x80, s23, s21, $0xb8;
	[tilespmem:$0x1FE40] =	vst v63  }
0x85: {  	_ =	swait.ge [sflag:s30], $0x2800  }
0x86: {  	[sflag:s30] =	ssyncset.done $0x0  }
0x87: {  	s10 =	simm.s32 $0x7C00;
	[sflag:s30] =	ssyncadd.s32 $0xFFFFD800  }
0x88: {  	[spmem:s3] =	stream.indirect.scatter.add.f32 [tilespmem:s22], [sflag:$0x5], $0x80, s10, s21, $0xb8;
	[tilespmem:$0x1FE40] =	vst v63  }
0x89: {  	_ =	swait.ge [sflag:s19], $0x2800  }
0x8a: {  	[sflag:s19] =	ssyncset.done $0x0  }
0x8b: {  	[sflag:s19] =	ssyncadd.s32 $0xFFFFD800  }
0x8c: {  	[tilespmem:s22], [sflag:$0x1] =	stream.indirect.gather [hbm4b:s0+s21], $0x80, s2, s21, $0xb8;
	[tilespmem:$0x1FE40] =	vst v63  }
0x8d: {  	_ =	swait.ge [sflag:s31], $0x2800  }
0x8e: {  	[sflag:s31] =	ssyncset.done $0x0  }
0x8f: {  	s17 =	simm.s32 $0x7C80;
	[sflag:s31] =	ssyncadd.s32 $0xFFFFD800  }
0x90: {  	[spmem:s3] =	stream.indirect.scatter.add.f32 [tilespmem:s24], [sflag:$0x5], $0x80, s17, s21, $0xb8;
	[tilespmem:$0x1FE40] =	vst v63  }
0x91: {  	_ =	swait.ge [sflag:s19], $0x2800  }
0x92: {  	[sflag:s19] =	ssyncset.done $0x0  }
0x93: {  	[sflag:s19] =	ssyncadd.s32 $0xFFFFD800  }
0x94: {  	[tilespmem:s24], [sflag:$0x2] =	stream.indirect.gather [hbm4b:s0+s21], $0x80, s4, s21, $0xb8;
	[tilespmem:$0x1FE40] =	vst v63  }
0x95: {  	_ =	swait.ge [sflag:s1], $0x2800  }
0x96: {  	[sflag:s1] =	ssyncset.done $0x0  }
0x97: {  	s23 =	simm.s32 $0x7D00;
	[sflag:s1] =	ssyncadd.s32 $0xFFFFD800  }
0x98: {  	[spmem:s3] =	stream.indirect.scatter.add.f32 [tilespmem:s26], [sflag:$0x5], $0x80, s23, s21, $0xb8;
	[tilespmem:$0x1FE40] =	vst v63  }
0x99: {  	_ =	swait.ge [sflag:s19], $0x2800  }
0x9a: {  	[sflag:s19] =	ssyncset.done $0x0  }
0x9b: {  	s23 =	simm.s32 $0x80;
	[sflag:s19] =	ssyncadd.s32 $0xFFFFD800  }
0x9c: {  	[tilespmem:s26], [sflag:$0x3] =	stream.indirect.gather [hbm4b:s0+s21], $0x80, s23, s21, $0xb8;
	[tilespmem:$0x1FE40] =	vst v63  }
0x9d: {  	_ =	swait.ge [sflag:s20], $0x2800  }
0x9e: {  	[sflag:s20] =	ssyncset.done $0x0  }
0x9f: {  	s17 =	simm.s32 $0x7D80;
	[sflag:s20] =	ssyncadd.s32 $0xFFFFD800  }
0xa0: {  	[spmem:s3] =	stream.indirect.scatter.add.f32 [tilespmem:s29], [sflag:$0x5], $0x80, s17, s21, $0xb8;
	[tilespmem:$0x1FE40] =	vst v63  }
0xa1: {  	_ =	swait.ge [sflag:s19], $0x2800  }
0xa2: {  	[sflag:s19] =	ssyncset.done $0x0  }
0xa3: {  	[sflag:s19] =	ssyncadd.s32 $0xFFFFD800  }
0xa4: {  	[tilespmem:s29], [sflag:$0x4] =	stream.indirect.gather [hbm4b:s0+s21], $0x80, s25, s21, $0xb8;
	[tilespmem:$0x1FE40] =	vst v63  }
0xa5: {  	_ =	swait.ge [sflag:s30], $0x2800  }
0xa6: {  	[sflag:s30] =	ssyncset.done $0x0  }
0xa7: {  	s17 =	simm.s32 $0x7E00;
	[sflag:s30] =	ssyncadd.s32 $0xFFFFD800  }
0xa8: {  	[spmem:s3] =	stream.indirect.scatter.add.f32 [tilespmem:s22], [sflag:$0x5], $0x80, s17, s21, $0xb8;
	[tilespmem:$0x1FE40] =	vst v63  }
0xa9: {  	_ =	swait.ge [sflag:s19], $0x2800  }
0xaa: {  	[sflag:s19] =	ssyncset.done $0x0  }
0xab: {  	[sflag:s19] =	ssyncadd.s32 $0xFFFFD800  }
0xac: {  	[tilespmem:s22], [sflag:$0x1] =	stream.indirect.gather [hbm4b:s0+s21], $0x80, s28, s21, $0xb8;
	[tilespmem:$0x1FE40] =	vst v63  }
0xad: {  	[bflag:$0x0] =	sbarrier.arrive $0xFFFF  }
0xae: {  	[hbm:s14], [sflag:s8] =	dma.local [spmem:s9], $0x1380  }
0xaf: {  	_ =	swait.ge [sflag:s19], $0x1380  }
0xb0: {  	[sflag:s19] =	ssyncset.done $0x0  }
0xb1: {  	s10 =	sshrl.u32 @p3 s13, $0x3;
	s17 =	rddreg [dreg:$0xa];
	[sflag:s19] =	ssyncadd.s32 $0xFFFFEC80  }
0xb2: {  	[hbm:s17], [sflag:s8] =	dma.local @p3 [spmem:s10], $0x80  }
0xb3: {  	s17 =	simm.s32 @p3 $0x5  }
0xb4: {  	_ =	swait.ge @p3 [sflag:s17], $0x80  }
0xb5: {  	[sflag:s17] =	ssyncset.done @p3 $0x0  }
0xb6: {  	[sflag:s17] =	ssyncadd.s32 @p3 $0xFFFFFF80  }
0xb7: {  	[bflag:$0x0] =	sbarrier.arrive $0xFFFF  }
0xb8: {  	[spmem:s9], [sflag:s8] =	dma.local [hbm:s5], $0x500  }
0xb9: {  	_ =	swait.ge [sflag:s19], $0x500  }
0xba: {  	[sflag:s19] =	ssyncset.done $0x0  }
0xbb: {  	[sflag:s19] =	ssyncadd.s32 $0xFFFFFB00  }
0xbc: {  	[spmem:s11], [sflag:s8] =	dma.local [hbm:s5], $0x500  }
0xbd: {  	_ =	swait.ge [sflag:s19], $0x500  }
0xbe: {  	[sflag:s19] =	ssyncset.done $0x0  }
0xbf: {  	[sflag:s19] =	ssyncadd.s32 $0xFFFFFB00  }
0xc0: {  	[spmem:s12], [sflag:s8] =	dma.local [hbm:s5], $0x500  }
0xc1: {  	_ =	swait.ge [sflag:s19], $0x500  }
0xc2: {  	[sflag:s19] =	ssyncset.done $0x0  }
0xc3: {  	[sflag:s19] =	ssyncadd.s32 $0xFFFFFB00  }
0xc4: {  	[spmem:s15], [sflag:s8] =	dma.local [hbm:s5], $0x480  }
0xc5: {  	_ =	swait.ge [sflag:s19], $0x480  }
0xc6: {  	[sflag:s19] =	ssyncset.done $0x0  }
0xc7: {  	s11 =	simm.s32 @!p0 $0x5;
	[sflag:s19] =	ssyncadd.s32 $0xFFFFFB80  }
0xc8: {  	[spmem:s16], [sflag:s8] =	dma.local @!p0 [hbm:s5], $0x80  }
0xc9: {  	_ =	swait.ge @!p0 [sflag:s11], $0x80  }
0xca: {  	[sflag:s11] =	ssyncset.done @!p0 $0x0  }
0xcb: {  	[sflag:s11] =	ssyncadd.s32 @!p0 $0xFFFFFF80  }
0xcc: {  	[spmem:s10], [sflag:s8] =	dma.local @p3 [hbm:s5], $0x80  }
0xcd: {  	_ =	swait.ge @p3 [sflag:s17], $0x80  }
0xce: {  	[sflag:s17] =	ssyncset.done @p3 $0x0  }
0xcf: {  	[sflag:s17] =	ssyncadd.s32 @p3 $0xFFFFFF80  }
0xd0: {  	[bflag:$0x0] =	sbarrier.arrive $0xFFFF  }
0xd1: {  	_ =	swait.ge [sflag:s31], $0x2800  }
0xd2: {  	[sflag:s31] =	ssyncset.done $0x0  }
0xd3: {  	s15 =	simm.s32 $0x0;
	s16 =	simm.s32 $0x7E80;
	[sflag:s31] =	ssyncadd.s32 $0xFFFFD800  }
0xd4: {  	[spmem:s3] =	stream.indirect.scatter.add.f32 [tilespmem:s24], [sflag:$0x5], $0x80, s16, s21, $0xb8;
	[tilespmem:$0x1FE40] =	vst v63  }
0xd5: {  	s11 =	sor.u32 $0x10200, s15;
	_ =	swait.ge [sflag:s19], $0x2800  }
0xd6: {  	s11 =	sshra.s32 s11, $0x2;
	[sflag:s19] =	ssyncset.done $0x0  }
0xd7: {  	s11 =	sadd.s32 $0xFFFFC180, s11;
	[sflag:s19] =	ssyncadd.s32 $0xFFFFD800  }
0xd8: {  	[tilespmem:s24], [sflag:$0x2] =	stream.indirect.gather [hbm4b:s0+s21], $0x80, s11, s21, $0xb8;
	[tilespmem:$0x1FE40] =	vst v63  }
0xd9: {  	_ =	swait.ge [sflag:s1], $0x2800  }
0xda: {  	[sflag:s1] =	ssyncset.done $0x0  }
0xdb: {  	s17 =	simm.s32 $0x7F00;
	[sflag:s1] =	ssyncadd.s32 $0xFFFFD800  }
0xdc: {  	[spmem:s3] =	stream.indirect.scatter.add.f32 [tilespmem:s26], [sflag:$0x5], $0x80, s17, s21, $0xb8;
	[tilespmem:$0x1FE40] =	vst v63  }
0xdd: {  	_ =	swait.ge [sflag:s19], $0x2800  }
0xde: {  	[sflag:s19] =	ssyncset.done $0x0  }
0xdf: {  	s12 =	simm.s32 $0x280;
	[sflag:s19] =	ssyncadd.s32 $0xFFFFD800  }
0xe0: {  	[tilespmem:s26], [sflag:$0x3] =	stream.indirect.gather [hbm4b:s0+s21], $0x80, s12, s21, $0xb8;
	[tilespmem:$0x1FE40] =	vst v63  }
0xe1: {  	_ =	swait.ge [sflag:s20], $0x2800  }
0xe2: {  	[sflag:s20] =	ssyncset.done $0x0  }
0xe3: {  	s15 =	simm.s32 $0x7F80;
	[sflag:s20] =	ssyncadd.s32 $0xFFFFD800  }
0xe4: {  	[spmem:s3] =	stream.indirect.scatter.add.f32 [tilespmem:s29], [sflag:$0x5], $0x80, s15, s21, $0xb8;
	[tilespmem:$0x1FE40] =	vst v63  }
0xe5: {  	_ =	swait.ge [sflag:s19], $0x2800  }
0xe6: {  	[sflag:s19] =	ssyncset.done $0x0  }
0xe7: {  	s16 =	simm.s32 $0x300;
	[sflag:s19] =	ssyncadd.s32 $0xFFFFD800  }
0xe8: {  	[tilespmem:s29], [sflag:$0x4] =	stream.indirect.gather [hbm4b:s0+s21], $0x80, s16, s21, $0xb8;
	[tilespmem:$0x1FE40] =	vst v63  }
0xe9: {  	_ =	swait.ge [sflag:s30], $0x2800  }
0xea: {  	[sflag:s30] =	ssyncset.done $0x0  }
0xeb: {  	s17 =	simm.s32 $0x8000;
	[sflag:s30] =	ssyncadd.s32 $0xFFFFD800  }
0xec: {  	[spmem:s3] =	stream.indirect.scatter.add.f32 [tilespmem:s22], [sflag:$0x5], $0x80, s17, s21, $0xb8;
	[tilespmem:$0x1FE40] =	vst v63  }
0xed: {  	_ =	swait.ge [sflag:s19], $0x2800  }
0xee: {  	[sflag:s19] =	ssyncset.done $0x0  }
0xef: {  	s11 =	simm.s32 $0x800;
	s12 =	simm.s32 $0x380;
	[sflag:s19] =	ssyncadd.s32 $0xFFFFD800  }
.LBB2_4:
0xf0: {  	[tilespmem:s22], [sflag:$0x1] =	stream.indirect.gather [hbm4b:s0+s21], $0x80, s12, s21, $0xb8;
	[tilespmem:$0x1FE40] =	vst v63  }
0xf1: {  	s15 =	smov.u32 s11  }
0xf2: {  	p4 =	sne.s32 s11, $0xE800;
	s11 =	sadd.s32 $0x800, s11;
	_ =	swait.ge [sflag:s31], $0x2800  }
0xf3: {  	s12 =	sshra.s32 s15, $0x2;
	[sflag:s31] =	ssyncset.done $0x0  }
0xf4: {  	s16 =	sadd.s32 $0x7E80, s12;
	[sflag:s31] =	ssyncadd.s32 $0xFFFFD800  }
0xf5: {  	[spmem:s3] =	stream.indirect.scatter.add.f32 [tilespmem:s24], [sflag:$0x5], $0x80, s16, s21, $0xb8;
	[tilespmem:$0x1FE40] =	vst v63  }
0xf6: {  	s15 =	sor.u32 $0x10200, s15;
	_ =	swait.ge [sflag:s19], $0x2800  }
0xf7: {  	s15 =	sshra.s32 s15, $0x2;
	[sflag:s19] =	ssyncset.done $0x0  }
0xf8: {  	s15 =	sadd.s32 $0xFFFFC180, s15;
	[sflag:s19] =	ssyncadd.s32 $0xFFFFD800  }
0xf9: {  	[tilespmem:s24], [sflag:$0x2] =	stream.indirect.gather [hbm4b:s0+s21], $0x80, s15, s21, $0xb8;
	[tilespmem:$0x1FE40] =	vst v63  }
0xfa: {  	_ =	swait.ge [sflag:s1], $0x2800  }
0xfb: {  	[sflag:s1] =	ssyncset.done $0x0  }
0xfc: {  	s15 =	sadd.s32 $0x7F00, s12;
	[sflag:s1] =	ssyncadd.s32 $0xFFFFD800  }
0xfd: {  	[spmem:s3] =	stream.indirect.scatter.add.f32 [tilespmem:s26], [sflag:$0x5], $0x80, s15, s21, $0xb8;
	[tilespmem:$0x1FE40] =	vst v63  }
0xfe: {  	_ =	swait.ge [sflag:s19], $0x2800  }
0xff: {  	[sflag:s19] =	ssyncset.done $0x0  }
0x100: {  	s15 =	sadd.s32 $0x280, s12;
	[sflag:s19] =	ssyncadd.s32 $0xFFFFD800  }
0x101: {  	[tilespmem:s26], [sflag:$0x3] =	stream.indirect.gather [hbm4b:s0+s21], $0x80, s15, s21, $0xb8;
	[tilespmem:$0x1FE40] =	vst v63  }
0x102: {  	_ =	swait.ge [sflag:s20], $0x2800  }
0x103: {  	[sflag:s20] =	ssyncset.done $0x0  }
0x104: {  	s15 =	sadd.s32 $0x7F80, s12;
	[sflag:s20] =	ssyncadd.s32 $0xFFFFD800  }
0x105: {  	[spmem:s3] =	stream.indirect.scatter.add.f32 [tilespmem:s29], [sflag:$0x5], $0x80, s15, s21, $0xb8;
	[tilespmem:$0x1FE40] =	vst v63  }
0x106: {  	_ =	swait.ge [sflag:s19], $0x2800  }
0x107: {  	[sflag:s19] =	ssyncset.done $0x0  }
0x108: {  	s15 =	sadd.s32 $0x300, s12;
	[sflag:s19] =	ssyncadd.s32 $0xFFFFD800  }
0x109: {  	[tilespmem:s29], [sflag:$0x4] =	stream.indirect.gather [hbm4b:s0+s21], $0x80, s15, s21, $0xb8;
	[tilespmem:$0x1FE40] =	vst v63  }
0x10a: {  	_ =	swait.ge [sflag:s30], $0x2800  }
0x10b: {  	[sflag:s30] =	ssyncset.done $0x0  }
.Ltmp1:
0x10c: {  	s15 =	sadd.s32 $0x8000, s12;
	[sflag:s30] =	ssyncadd.s32 $0xFFFFD800;
	(pc) =	sbr.rel @p4 .LBB2_4-.Ltmp1, $4  }
0x10d: {  	[spmem:s3] =	stream.indirect.scatter.add.f32 [tilespmem:s22], [sflag:$0x5], $0x80, s15, s21, $0xb8;
	[tilespmem:$0x1FE40] =	vst v63  }
0x10e: {  	_ =	swait.ge [sflag:s19], $0x2800  }
0x10f: {  	[sflag:s19] =	ssyncset.done $0x0  }
0x110: {  	s12 =	sadd.s32 $0x380, s12;
	[sflag:s19] =	ssyncadd.s32 $0xFFFFD800  }
0x111: {  	[tilespmem:s22], [sflag:$0x1] =	stream.indirect.gather [hbm4b:s0+s21], $0x80, s12, s21, $0xb8;
	[tilespmem:$0x1FE40] =	vst v63  }
0x112: {  	_ =	swait.ge [sflag:s31], $0x2800  }
0x113: {  	[sflag:s31] =	ssyncset.done $0x0  }
0x114: {  	s11 =	simm.s32 $0xBA80;
	[sflag:s31] =	ssyncadd.s32 $0xFFFFD800  }
0x115: {  	[spmem:s3] =	stream.indirect.scatter.add.f32 [tilespmem:s24], [sflag:$0x5], $0x80, s11, s21, $0xb8;
	[tilespmem:$0x1FE40] =	vst v63  }
0x116: {  	_ =	swait.ge [sflag:s19], $0x2800  }
0x117: {  	[sflag:s19] =	ssyncset.done $0x0  }
0x118: {  	[sflag:s19] =	ssyncadd.s32 $0xFFFFD800  }
0x119: {  	[tilespmem:s24], [sflag:$0x2] =	stream.indirect.gather [hbm4b:s0+s21], $0x80, s2, s21, $0xb8;
	[tilespmem:$0x1FE40] =	vst v63  }
0x11a: {  	_ =	swait.ge [sflag:s1], $0x2800  }
0x11b: {  	[sflag:s1] =	ssyncset.done $0x0  }
0x11c: {  	s17 =	simm.s32 $0xBB00;
	[sflag:s1] =	ssyncadd.s32 $0xFFFFD800  }
0x11d: {  	[spmem:s3] =	stream.indirect.scatter.add.f32 [tilespmem:s26], [sflag:$0x5], $0x80, s17, s21, $0xb8;
	[tilespmem:$0x1FE40] =	vst v63  }
0x11e: {  	_ =	swait.ge [sflag:s19], $0x2800  }
0x11f: {  	[sflag:s19] =	ssyncset.done $0x0  }
0x120: {  	[sflag:s19] =	ssyncadd.s32 $0xFFFFD800  }
0x121: {  	[tilespmem:s26], [sflag:$0x3] =	stream.indirect.gather [hbm4b:s0+s21], $0x80, s2, s21, $0xb8;
	[tilespmem:$0x1FE40] =	vst v63  }
0x122: {  	_ =	swait.ge [sflag:s20], $0x2800  }
0x123: {  	[sflag:s20] =	ssyncset.done $0x0  }
0x124: {  	s12 =	simm.s32 $0xBB80;
	[sflag:s20] =	ssyncadd.s32 $0xFFFFD800  }
0x125: {  	[spmem:s3] =	stream.indirect.scatter.add.f32 [tilespmem:s29], [sflag:$0x5], $0x80, s12, s21, $0xb8;
	[tilespmem:$0x1FE40] =	vst v63  }
0x126: {  	_ =	swait.ge [sflag:s19], $0x2800  }
0x127: {  	[sflag:s19] =	ssyncset.done $0x0  }
0x128: {  	[sflag:s19] =	ssyncadd.s32 $0xFFFFD800  }
0x129: {  	[tilespmem:s29], [sflag:$0x4] =	stream.indirect.gather [hbm4b:s0+s21], $0x80, s2, s21, $0xb8;
	[tilespmem:$0x1FE40] =	vst v63  }
0x12a: {  	_ =	swait.ge [sflag:s30], $0x2800  }
0x12b: {  	[sflag:s30] =	ssyncset.done $0x0  }
0x12c: {  	s15 =	simm.s32 $0xBC00;
	[sflag:s30] =	ssyncadd.s32 $0xFFFFD800  }
0x12d: {  	[spmem:s3] =	stream.indirect.scatter.add.f32 [tilespmem:s22], [sflag:$0x5], $0x80, s15, s21, $0xb8;
	[tilespmem:$0x1FE40] =	vst v63  }
0x12e: {  	_ =	swait.ge [sflag:s19], $0x2800  }
0x12f: {  	[sflag:s19] =	ssyncset.done $0x0  }
0x130: {  	[sflag:s19] =	ssyncadd.s32 $0xFFFFD800  }
0x131: {  	[tilespmem:s22], [sflag:$0x1] =	stream.indirect.gather [hbm4b:s0+s21], $0x80, s2, s21, $0xb8;
	[tilespmem:$0x1FE40] =	vst v63  }
0x132: {  	_ =	swait.ge [sflag:s31], $0x2800  }
0x133: {  	[sflag:s31] =	ssyncset.done $0x0  }
0x134: {  	s16 =	simm.s32 $0xBC80;
	[sflag:s31] =	ssyncadd.s32 $0xFFFFD800  }
0x135: {  	[spmem:s3] =	stream.indirect.scatter.add.f32 [tilespmem:s24], [sflag:$0x5], $0x80, s16, s21, $0xb8;
	[tilespmem:$0x1FE40] =	vst v63  }
0x136: {  	_ =	swait.ge [sflag:s19], $0x2800  }
0x137: {  	[sflag:s19] =	ssyncset.done $0x0  }
0x138: {  	[sflag:s19] =	ssyncadd.s32 $0xFFFFD800  }
0x139: {  	_ =	swait.ge [sflag:s30], $0x2800  }
0x13a: {  	[sflag:s30] =	ssyncset.done $0x0  }
0x13b: {  	[sflag:s30] =	ssyncadd.s32 $0xFFFFD800  }
0x13c: {  	_ =	swait.ge [sflag:s1], $0x2800  }
0x13d: {  	[sflag:s1] =	ssyncset.done $0x0  }
0x13e: {  	[sflag:s1] =	ssyncadd.s32 $0xFFFFD800  }
0x13f: {  	_ =	swait.ge [sflag:s20], $0x2800  }
0x140: {  	[sflag:s20] =	ssyncset.done $0x0  }
0x141: {  	[sflag:s20] =	ssyncadd.s32 $0xFFFFD800  }
0x142: {  	[bflag:$0x0] =	sbarrier.arrive $0xFFFF  }
0x143: {  	s17 =	rddreg [dreg:$0xb]  }
0x144: {  	[hbm:s17], [sflag:s8] =	dma.local [spmem:s9], $0x1380  }
0x145: {  	_ =	swait.ge [sflag:s19], $0x1380  }
0x146: {  	s6 =	sadd.s32 $0x1, s6;
	[sflag:s19] =	ssyncset.done $0x0  }
0x147: {  	p4 =	sne.s32 s6, s18;
	s9 =	rddreg [dreg:$0xc];
	[sflag:s19] =	ssyncadd.s32 $0xFFFFEC80  }
0x148: {  	[hbm:s9], [sflag:s8] =	dma.local @p3 [spmem:s10], $0x80  }
.Ltmp2:
0x149: {  	_ = 	snop;
	(pc) =	sbr.rel @p4 .LBB2_1-.Ltmp2, $4  }
0x14a: {  	s8 =	simm.s32 @p3 $0x5  }
0x14b: {  	_ =	swait.ge @p3 [sflag:s8], $0x80  }
0x14c: {  	[sflag:s8] =	ssyncset.done @p3 $0x0  }
0x14d: {  	[sflag:s8] =	ssyncadd.s32 @p3 $0xFFFFFF80  }
0x14e: {  	_ =	sfence.sel $0x180000  }
0x14f: {  	[bflag:$0x0] =	sbarrier.arrive $0xFFFF  }
0x150: {  	_ =	strace $0x90000047  }
0x151: {  	s0 =	stileid.u32;
	[bflag:$0x2] =	sbarrier.arrive $0xFFFF  }
0x152: {  	p0 =	sne.s32 s0, $0x0;
	s0 =	rddreg [dreg:$0x3]  }
0x153: {  	s0 =	sadd.s32 @!p0 $0x100000, s0  }
0x154: {  	[sflag:s0] =	ssyncadd.tile.s32 @!p0 $0x1;
	_ =	shalt  }
.Lfunc_end2:
_tile_overlayer_lowered:
.L_overlay_start_2:
0x155: {  	(tag) =	ssettag $0x2  }
0x156: {  	s0 =	rddreg [dreg:$0x0];
	s2 =	stileid.u32  }
0x157: {  	s1 =	rddreg [dreg:$0x1];
	p0 =	sne.s32 s2, $0x0  }
0x158: {  	s3 =	rddreg [dreg:$0x2];
	[bflag:$0x3] =	sbarrier.arrive $0xFFFF;
	s2 =	simm.s32 @!p0 $0x1C05  }
0x159: {  	[timem:s3], [sflag:s2] =	dma.local @!p0 [hbm:s0], s1  }
0x15a: {  	s0 =	simm.s32 @!p0 $0x5  }
0x15b: {  	_ =	swait.ge @!p0 [sflag:s0], s1  }
0x15c: {  	s1 =	ssub.s32 @!p0 $0x0, s1;
	[sflag:s0] =	ssyncset.done @!p0 $0x0  }
0x15d: {  	[sflag:s0] =	ssyncadd.s32 @!p0 s1  }
0x15e: {  	[bflag:$0x3] =	sbarrier.arrive $0xFFFF  }
0x15f: {  	_ =	shalt  }

</sc_bundles>
